<compile_context>
chip_gen: v7x
topology: tpu7x:2x2x1
jax: 0.10.2.dev20260603
libtpu: 0.0.44.dev20260713+nightly
codegen_flags: <defaults>
</compile_context>

<pallas_src>
import functools

import jax
import jax.numpy as jnp
from jax.experimental import pallas as pl
from jax.experimental.pallas import tpu as pltpu
from jax.experimental.pallas import tpu_sc as plsc

_NG = 128
_GS = 32
_B = 16
_N = 8192
_SL = 64
_LN = 128
_TOT = _B * _NG * _GS

_NC = 2
_NS = 16
_NW = _NC * _NS
_BPW = _TOT // _NW
_RPB = _NG * _GS
_VL = 16
_NV = _BPW // _VL


def _fps_kernel(xs_ref, ys_ref, zs_ref, cent_ref, dist_scr):
    xs = xs_ref[...]
    ys = ys_ref[...]
    zs = zs_ref[...]
    si = jax.lax.broadcasted_iota(jnp.int32, (1, _SL, _LN), 1)
    li = jax.lax.broadcasted_iota(jnp.int32, (1, _SL, _LN), 2)
    fi = si * _LN + li
    dist_scr[...] = jnp.full((_B, _SL, _LN), 1e10, jnp.float32)

    def body(i, far):
        mask = fi == far
        cx = jnp.sum(jnp.where(mask, xs, 0.0), axis=(1, 2), keepdims=True)
        cy = jnp.sum(jnp.where(mask, ys, 0.0), axis=(1, 2), keepdims=True)
        cz = jnp.sum(jnp.where(mask, zs, 0.0), axis=(1, 2), keepdims=True)
        row = jnp.concatenate([cx[:, 0, :], cy[:, 0, :], cz[:, 0, :]],
                              axis=-1)
        cent_ref[:, pl.ds(i, 1), :] = row[:, None, :]
        dx = xs - cx
        dy = ys - cy
        dz = zs - cz
        d = (dx * dx + dy * dy) + dz * dz
        dmin = jnp.minimum(dist_scr[...], d)
        dist_scr[...] = dmin
        m = jnp.max(dmin, axis=(1, 2), keepdims=True)
        far2 = jnp.min(jnp.where(dmin == m, fi, _N), axis=(1, 2),
                       keepdims=True)
        return far2

    jax.lax.fori_loop(0, _NG, body, jnp.zeros((_B, 1, 1), jnp.int32))


def _knn_kernel(xs_ref, ys_ref, zs_ref, cent_ref, idx_ref, gidx_ref, d_scr):
    px = xs_ref[0]
    py = ys_ref[0]
    pz = zs_ref[0]
    cg = cent_ref[0]
    cgx = cg[:, 0:1]
    cgy = cg[:, 1:2]
    cgz = cg[:, 2:3]
    aa = (cgx * cgx + cgy * cgy) + cgz * cgz
    bb = (px * px + py * py) + pz * pz
    cbx = cgx.astype(jnp.bfloat16).astype(jnp.float32)
    cby = cgy.astype(jnp.bfloat16).astype(jnp.float32)
    cbz = cgz.astype(jnp.bfloat16).astype(jnp.float32)
    pbx = px.astype(jnp.bfloat16).astype(jnp.float32)
    pby = py.astype(jnp.bfloat16).astype(jnp.float32)
    pbz = pz.astype(jnp.bfloat16).astype(jnp.float32)
    ab = (cbx * pbx + cby * pby) + cbz * pbz
    d2 = jnp.maximum(aa + bb - 2.0 * ab, 0.0)
    d_scr[...] = jnp.sqrt(d2)
    li = jax.lax.broadcasted_iota(jnp.int32, (1, _N), 1)
    pid = pl.program_id(0)
    for k in range(_GS):
        dcur = d_scr[...]
        m = jnp.min(dcur, axis=1, keepdims=True)
        a = jnp.min(jnp.where(dcur == m, li, _N), axis=1, keepdims=True)
        idx_ref[0, :, k:k + 1] = a
        gidx_ref[0, :, k:k + 1] = a + pid * _N
        d_scr[...] = jnp.where(li == a, jnp.inf, dcur)


def _make_sc_gather():
    mesh = plsc.VectorSubcoreMesh(core_axis_name="c", subcore_axis_name="s")
    f32 = jnp.float32

    @functools.partial(
        pl.kernel, mesh=mesh,
        out_type=(
            jax.ShapeDtypeStruct((_TOT,), f32),
            jax.ShapeDtypeStruct((_TOT,), f32),
            jax.ShapeDtypeStruct((_TOT,), f32),
        ),
        scratch_types=[
            pltpu.VMEM((_BPW,), jnp.int32),
            pltpu.VMEM((_BPW,), jnp.int32),
            pltpu.VMEM((_BPW,), f32),
            pltpu.VMEM((_BPW,), f32),
            pltpu.VMEM((_BPW,), f32),
            pltpu.VMEM((_BPW,), f32),
            pltpu.VMEM((_BPW,), f32),
            pltpu.VMEM((_BPW,), f32),
        ],
    )
    def gather_k(xs_hbm, ys_hbm, zs_hbm, cx_hbm, cy_hbm, cz_hbm, gidx_hbm,
                 cidx_hbm, ox_hbm, oy_hbm, oz_hbm,
                 idx_v, cidx_v, gx_v, gy_v, gz_v, cx_v, cy_v, cz_v):
        wid = jax.lax.axis_index("s") * _NC + jax.lax.axis_index("c")
        base = wid * _BPW
        pltpu.sync_copy(gidx_hbm.at[pl.ds(base, _BPW)], idx_v)
        pltpu.sync_copy(cidx_hbm.at[pl.ds(base, _BPW)], cidx_v)
        pltpu.sync_copy(xs_hbm.at[idx_v], gx_v)
        pltpu.sync_copy(ys_hbm.at[idx_v], gy_v)
        pltpu.sync_copy(zs_hbm.at[idx_v], gz_v)
        pltpu.sync_copy(cx_hbm.at[cidx_v], cx_v)
        pltpu.sync_copy(cy_hbm.at[cidx_v], cy_v)
        pltpu.sync_copy(cz_hbm.at[cidx_v], cz_v)

        def body(i, carry):
            sl = pl.ds(i * _VL, _VL)
            gx_v[sl] = gx_v[sl] - cx_v[sl]
            gy_v[sl] = gy_v[sl] - cy_v[sl]
            gz_v[sl] = gz_v[sl] - cz_v[sl]
            return carry

        jax.lax.fori_loop(0, _NV, body, 0)
        pltpu.sync_copy(gx_v, ox_hbm.at[pl.ds(base, _BPW)])
        pltpu.sync_copy(gy_v, oy_hbm.at[pl.ds(base, _BPW)])
        pltpu.sync_copy(gz_v, oz_hbm.at[pl.ds(base, _BPW)])

    return gather_k


_sc_gather = _make_sc_gather()


def kernel(xyz):
    B, N, _ = xyz.shape
    xs = xyz[:, :, 0]
    ys = xyz[:, :, 1]
    zs = xyz[:, :, 2]
    xs3 = xs.reshape(B, _SL, _LN)
    ys3 = ys.reshape(B, _SL, _LN)
    zs3 = zs.reshape(B, _SL, _LN)

    centers = pl.pallas_call(
        _fps_kernel,
        out_shape=jax.ShapeDtypeStruct((B, _NG, 3), jnp.float32),
        scratch_shapes=[pltpu.VMEM((_B, _SL, _LN), jnp.float32)],
    )(xs3, ys3, zs3)

    idx = pl.pallas_call(
        _knn_kernel,
        grid=(B,),
        in_specs=[
            pl.BlockSpec((1, 1, N), lambda b: (b, 0, 0)),
            pl.BlockSpec((1, 1, N), lambda b: (b, 0, 0)),
            pl.BlockSpec((1, 1, N), lambda b: (b, 0, 0)),
            pl.BlockSpec((1, _NG, 3), lambda b: (b, 0, 0)),
        ],
        out_specs=[
            pl.BlockSpec((1, _NG, _GS), lambda b: (b, 0, 0)),
            pl.BlockSpec((1, _NG, _GS), lambda b: (b, 0, 0)),
        ],
        out_shape=[
            jax.ShapeDtypeStruct((B, _NG, _GS), jnp.int32),
            jax.ShapeDtypeStruct((B, _NG, _GS), jnp.int32),
        ],
        scratch_shapes=[pltpu.VMEM((_NG, _N), jnp.float32)],
    )(xs[:, None, :], ys[:, None, :], zs[:, None, :], centers)
    idx, gidx = idx

    cidx = (jnp.arange(_TOT, dtype=jnp.int32) // _GS)
    ox, oy, oz = _sc_gather(
        xs.reshape(B * N), ys.reshape(B * N), zs.reshape(B * N),
        centers[:, :, 0].reshape(B * _NG), centers[:, :, 1].reshape(B * _NG),
        centers[:, :, 2].reshape(B * _NG),
        gidx.reshape(_TOT), cidx,
    )
    neighborhood = jnp.stack(
        [ox.reshape(B, _NG, _GS), oy.reshape(B, _NG, _GS),
         oz.reshape(B, _NG, _GS)], axis=-1)
    return neighborhood, centers, idx

# --- scband reference (transcript-rebuilt; emitter-appended) ---
"""Pipeline reference for scband-group-60541859004641 (READ-ONLY COPY).

The authoritative reference and input builder live on the scoring server;
editing this copy changes nothing except your own understanding.
"""

import jax, jax.numpy as jnp
import numpy as np

NUM_GROUP = 128
GROUP_SIZE = 32


def setup_inputs(seed: int = 0) -> dict:
    key = jax.random.key(seed)
    xyz = jax.random.normal(key, (16, 8192, 3), dtype=jnp.float32)
    return {"xyz": xyz}


def _farthest_point_sampling(xyz, K):
    B, N, _ = xyz.shape
    bidx = jnp.arange(B)
    # torch ref uses randint for the first center; we use a fixed start (index 0)
    farthest = jnp.zeros((B,), dtype=jnp.int32)
    distances = jnp.full((B, N), 1e10, dtype=jnp.float32)
    center_idx_list = []
    for i in range(K):
        center_idx_list.append(farthest)
        centroid = xyz[bidx, farthest, :][:, None, :]
        dist = jnp.sum((xyz - centroid) ** 2, axis=-1)
        distances = jnp.minimum(distances, dist)
        farthest = jnp.argmax(distances, axis=1).astype(jnp.int32)
    center_idx = jnp.stack(center_idx_list, axis=1)  # (B, K)
    centers = xyz[bidx[:, None], center_idx]  # (B, K, 3)
    return centers, center_idx


def _cdist(a, b):
    # a: (B,G,3), b: (B,N,3) -> (B,G,N) euclidean distances (like torch.cdist p=2)
    aa = jnp.sum(a * a, axis=-1)[:, :, None]
    bb = jnp.sum(b * b, axis=-1)[:, None, :]
    ab = jnp.einsum('bgd,bnd->bgn', a, b)
    d2 = jnp.maximum(aa + bb - 2.0 * ab, 0.0)
    return jnp.sqrt(d2)


def reference(xyz):
    B, N, _ = xyz.shape
    centers, _ = _farthest_point_sampling(xyz, NUM_GROUP)
    dist = _cdist(centers, xyz)  # (B, G, N)
    # torch.topk(largest=False) -> top_k on negated distances
    _, idx = jax.lax.top_k(-dist, GROUP_SIZE)  # (B, G, K)
    bidx = jnp.arange(B)[:, None, None]
    neighborhood = xyz[bidx, idx]  # (B, G, K, 3)
    neighborhood = neighborhood - centers[:, :, None, :]
    return neighborhood, centers, idx

if __name__ == "__main__":
    import jax
    _d = setup_inputs()
    print(jax.jit(kernel)(*tuple(_d.values())))

</pallas_src>

<mosaic_0001>
#map = affine_map<(d0, d1) -> (0)>
module attributes {stable_mosaic.version = 14 : i64} {
  func.func @gather_k(%arg0: i32, %arg1: i32, %arg2: memref<131072xf32, #tpu.memory_space<hbm>>, %arg3: memref<131072xf32, #tpu.memory_space<hbm>>, %arg4: memref<131072xf32, #tpu.memory_space<hbm>>, %arg5: memref<2048xf32, #tpu.memory_space<hbm>>, %arg6: memref<2048xf32, #tpu.memory_space<hbm>>, %arg7: memref<2048xf32, #tpu.memory_space<hbm>>, %arg8: memref<65536xi32, #tpu.memory_space<hbm>>, %arg9: memref<65536xi32, #tpu.memory_space<hbm>>, %arg10: memref<65536xf32, #tpu.memory_space<hbm>>, %arg11: memref<65536xf32, #tpu.memory_space<hbm>>, %arg12: memref<65536xf32, #tpu.memory_space<hbm>>, %arg13: memref<2048xi32, #tpu.memory_space<vmem>>, %arg14: memref<2048xi32, #tpu.memory_space<vmem>>, %arg15: memref<2048xf32, #tpu.memory_space<vmem>>, %arg16: memref<2048xf32, #tpu.memory_space<vmem>>, %arg17: memref<2048xf32, #tpu.memory_space<vmem>>, %arg18: memref<2048xf32, #tpu.memory_space<vmem>>, %arg19: memref<2048xf32, #tpu.memory_space<vmem>>, %arg20: memref<2048xf32, #tpu.memory_space<vmem>>) attributes {dimension_semantics = [#tpu.dimension_semantics<core_parallel>, #tpu.dimension_semantics<subcore_parallel>], iteration_bounds = array<i64: 2, 16>, scalar_prefetch = 0 : i64, scratch_operands = 8 : i64, tpu.core_type = #tpu.core_type<sc_vector_subcore>, window_params = [{transform_indices = #map}, {transform_indices = #map}, {transform_indices = #map}, {transform_indices = #map}, {transform_indices = #map}, {transform_indices = #map}, {transform_indices = #map}, {transform_indices = #map}, {transform_indices = #map}, {transform_indices = #map}, {transform_indices = #map}]} {
    %mul3A = arith.constant 2 : i32
    %mul3A_0 = arith.muli %arg1, %mul3A : i32
    %add3A = arith.addi %mul3A_0, %arg0 : i32
    %mul3A_1 = arith.constant 2048 : i32
    %mul3A_2 = arith.muli %add3A, %mul3A_1 : i32
    "tpu.region"() ({
      %run_scoped3A = tpu.sem_alloc : memref<!tpu.dma_semaphore, #tpu.memory_space<semaphore_mem>>
      %dma_start3A = tpu.memref_slice %arg8[%mul3A_2] : memref<65536xi32, #tpu.memory_space<hbm>> -> memref<2048xi32, #tpu.memory_space<hbm>>
      %dma_start3A_8 = tpu.memref_slice %arg8[%mul3A_2] : memref<65536xi32, #tpu.memory_space<hbm>> -> memref<2048xi32, #tpu.memory_space<hbm>>
      tpu.enqueue_dma source(%dma_start3A_8 : memref<2048xi32, #tpu.memory_space<hbm>>) target(%arg13 : memref<2048xi32, #tpu.memory_space<vmem>>) target_semaphore(%run_scoped3A : memref<!tpu.dma_semaphore, #tpu.memory_space<semaphore_mem>>)
      %dma_wait3A = tpu.memref_slice %arg8[%mul3A_2] : memref<65536xi32, #tpu.memory_space<hbm>> -> memref<2048xi32, #tpu.memory_space<hbm>>
      %dma_wait3A_9 = tpu.memref_slice %arg8[%mul3A_2] : memref<65536xi32, #tpu.memory_space<hbm>> -> memref<2048xi32, #tpu.memory_space<hbm>>
      tpu.wait_dma2 semaphore(%run_scoped3A : memref<!tpu.dma_semaphore, #tpu.memory_space<semaphore_mem>>) src(%dma_wait3A_9 : memref<2048xi32, #tpu.memory_space<hbm>>) dst(%arg13 : memref<2048xi32, #tpu.memory_space<vmem>>)
      tpu.yield
    }) : () -> ()
    "tpu.region"() ({
      %run_scoped3A = tpu.sem_alloc : memref<!tpu.dma_semaphore, #tpu.memory_space<semaphore_mem>>
      %dma_start3A = tpu.memref_slice %arg9[%mul3A_2] : memref<65536xi32, #tpu.memory_space<hbm>> -> memref<2048xi32, #tpu.memory_space<hbm>>
      %dma_start3A_8 = tpu.memref_slice %arg9[%mul3A_2] : memref<65536xi32, #tpu.memory_space<hbm>> -> memref<2048xi32, #tpu.memory_space<hbm>>
      tpu.enqueue_dma source(%dma_start3A_8 : memref<2048xi32, #tpu.memory_space<hbm>>) target(%arg14 : memref<2048xi32, #tpu.memory_space<vmem>>) target_semaphore(%run_scoped3A : memref<!tpu.dma_semaphore, #tpu.memory_space<semaphore_mem>>)
      %dma_wait3A = tpu.memref_slice %arg9[%mul3A_2] : memref<65536xi32, #tpu.memory_space<hbm>> -> memref<2048xi32, #tpu.memory_space<hbm>>
      %dma_wait3A_9 = tpu.memref_slice %arg9[%mul3A_2] : memref<65536xi32, #tpu.memory_space<hbm>> -> memref<2048xi32, #tpu.memory_space<hbm>>
      tpu.wait_dma2 semaphore(%run_scoped3A : memref<!tpu.dma_semaphore, #tpu.memory_space<semaphore_mem>>) src(%dma_wait3A_9 : memref<2048xi32, #tpu.memory_space<hbm>>) dst(%arg14 : memref<2048xi32, #tpu.memory_space<vmem>>)
      tpu.yield
    }) : () -> ()
    "tpu.region"() ({
      %run_scoped3A = tpu.sem_alloc : memref<!tpu.dma_semaphore, #tpu.memory_space<semaphore_mem>>
      %dma_start3A = arith.constant 0 : i32
      %dma_start3A_8 = tpu.memref_slice %arg2[%dma_start3A] : memref<131072xf32, #tpu.memory_space<hbm>> -> memref<131072xf32, #tpu.memory_space<hbm>>
      tpu.enqueue_indirect_dma source(%dma_start3A_8 : memref<131072xf32, #tpu.memory_space<hbm>>) target(%arg15 : memref<2048xf32, #tpu.memory_space<vmem>>) offsets(%arg13 : memref<2048xi32, #tpu.memory_space<vmem>>) semaphore(%run_scoped3A : memref<!tpu.dma_semaphore, #tpu.memory_space<semaphore_mem>>)
      %dma_wait3A = arith.constant 0 : i32
      %dma_wait3A_9 = tpu.memref_slice %arg2[%dma_wait3A] : memref<131072xf32, #tpu.memory_space<hbm>> -> memref<131072xf32, #tpu.memory_space<hbm>>
      tpu.wait_indirect_dma semaphore(%run_scoped3A : memref<!tpu.dma_semaphore, #tpu.memory_space<semaphore_mem>>) src(%dma_wait3A_9 : memref<131072xf32, #tpu.memory_space<hbm>>) dst(%arg15 : memref<2048xf32, #tpu.memory_space<vmem>>)
      tpu.yield
    }) : () -> ()
    "tpu.region"() ({
      %run_scoped3A = tpu.sem_alloc : memref<!tpu.dma_semaphore, #tpu.memory_space<semaphore_mem>>
      %dma_start3A = arith.constant 0 : i32
      %dma_start3A_8 = tpu.memref_slice %arg3[%dma_start3A] : memref<131072xf32, #tpu.memory_space<hbm>> -> memref<131072xf32, #tpu.memory_space<hbm>>
      tpu.enqueue_indirect_dma source(%dma_start3A_8 : memref<131072xf32, #tpu.memory_space<hbm>>) target(%arg16 : memref<2048xf32, #tpu.memory_space<vmem>>) offsets(%arg13 : memref<2048xi32, #tpu.memory_space<vmem>>) semaphore(%run_scoped3A : memref<!tpu.dma_semaphore, #tpu.memory_space<semaphore_mem>>)
      %dma_wait3A = arith.constant 0 : i32
      %dma_wait3A_9 = tpu.memref_slice %arg3[%dma_wait3A] : memref<131072xf32, #tpu.memory_space<hbm>> -> memref<131072xf32, #tpu.memory_space<hbm>>
      tpu.wait_indirect_dma semaphore(%run_scoped3A : memref<!tpu.dma_semaphore, #tpu.memory_space<semaphore_mem>>) src(%dma_wait3A_9 : memref<131072xf32, #tpu.memory_space<hbm>>) dst(%arg16 : memref<2048xf32, #tpu.memory_space<vmem>>)
      tpu.yield
    }) : () -> ()
    "tpu.region"() ({
      %run_scoped3A = tpu.sem_alloc : memref<!tpu.dma_semaphore, #tpu.memory_space<semaphore_mem>>
      %dma_start3A = arith.constant 0 : i32
      %dma_start3A_8 = tpu.memref_slice %arg4[%dma_start3A] : memref<131072xf32, #tpu.memory_space<hbm>> -> memref<131072xf32, #tpu.memory_space<hbm>>
      tpu.enqueue_indirect_dma source(%dma_start3A_8 : memref<131072xf32, #tpu.memory_space<hbm>>) target(%arg17 : memref<2048xf32, #tpu.memory_space<vmem>>) offsets(%arg13 : memref<2048xi32, #tpu.memory_space<vmem>>) semaphore(%run_scoped3A : memref<!tpu.dma_semaphore, #tpu.memory_space<semaphore_mem>>)
      %dma_wait3A = arith.constant 0 : i32
      %dma_wait3A_9 = tpu.memref_slice %arg4[%dma_wait3A] : memref<131072xf32, #tpu.memory_space<hbm>> -> memref<131072xf32, #tpu.memory_space<hbm>>
      tpu.wait_indirect_dma semaphore(%run_scoped3A : memref<!tpu.dma_semaphore, #tpu.memory_space<semaphore_mem>>) src(%dma_wait3A_9 : memref<131072xf32, #tpu.memory_space<hbm>>) dst(%arg17 : memref<2048xf32, #tpu.memory_space<vmem>>)
      tpu.yield
    }) : () -> ()
    "tpu.region"() ({
      %run_scoped3A = tpu.sem_alloc : memref<!tpu.dma_semaphore, #tpu.memory_space<semaphore_mem>>
      %dma_start3A = arith.constant 0 : i32
      %dma_start3A_8 = tpu.memref_slice %arg5[%dma_start3A] : memref<2048xf32, #tpu.memory_space<hbm>> -> memref<2048xf32, #tpu.memory_space<hbm>>
      tpu.enqueue_indirect_dma source(%dma_start3A_8 : memref<2048xf32, #tpu.memory_space<hbm>>) target(%arg18 : memref<2048xf32, #tpu.memory_space<vmem>>) offsets(%arg14 : memref<2048xi32, #tpu.memory_space<vmem>>) semaphore(%run_scoped3A : memref<!tpu.dma_semaphore, #tpu.memory_space<semaphore_mem>>)
      %dma_wait3A = arith.constant 0 : i32
      %dma_wait3A_9 = tpu.memref_slice %arg5[%dma_wait3A] : memref<2048xf32, #tpu.memory_space<hbm>> -> memref<2048xf32, #tpu.memory_space<hbm>>
      tpu.wait_indirect_dma semaphore(%run_scoped3A : memref<!tpu.dma_semaphore, #tpu.memory_space<semaphore_mem>>) src(%dma_wait3A_9 : memref<2048xf32, #tpu.memory_space<hbm>>) dst(%arg18 : memref<2048xf32, #tpu.memory_space<vmem>>)
      tpu.yield
    }) : () -> ()
    "tpu.region"() ({
      %run_scoped3A = tpu.sem_alloc : memref<!tpu.dma_semaphore, #tpu.memory_space<semaphore_mem>>
      %dma_start3A = arith.constant 0 : i32
      %dma_start3A_8 = tpu.memref_slice %arg6[%dma_start3A] : memref<2048xf32, #tpu.memory_space<hbm>> -> memref<2048xf32, #tpu.memory_space<hbm>>
      tpu.enqueue_indirect_dma source(%dma_start3A_8 : memref<2048xf32, #tpu.memory_space<hbm>>) target(%arg19 : memref<2048xf32, #tpu.memory_space<vmem>>) offsets(%arg14 : memref<2048xi32, #tpu.memory_space<vmem>>) semaphore(%run_scoped3A : memref<!tpu.dma_semaphore, #tpu.memory_space<semaphore_mem>>)
      %dma_wait3A = arith.constant 0 : i32
      %dma_wait3A_9 = tpu.memref_slice %arg6[%dma_wait3A] : memref<2048xf32, #tpu.memory_space<hbm>> -> memref<2048xf32, #tpu.memory_space<hbm>>
      tpu.wait_indirect_dma semaphore(%run_scoped3A : memref<!tpu.dma_semaphore, #tpu.memory_space<semaphore_mem>>) src(%dma_wait3A_9 : memref<2048xf32, #tpu.memory_space<hbm>>) dst(%arg19 : memref<2048xf32, #tpu.memory_space<vmem>>)
      tpu.yield
    }) : () -> ()
    "tpu.region"() ({
      %run_scoped3A = tpu.sem_alloc : memref<!tpu.dma_semaphore, #tpu.memory_space<semaphore_mem>>
      %dma_start3A = arith.constant 0 : i32
      %dma_start3A_8 = tpu.memref_slice %arg7[%dma_start3A] : memref<2048xf32, #tpu.memory_space<hbm>> -> memref<2048xf32, #tpu.memory_space<hbm>>
      tpu.enqueue_indirect_dma source(%dma_start3A_8 : memref<2048xf32, #tpu.memory_space<hbm>>) target(%arg20 : memref<2048xf32, #tpu.memory_space<vmem>>) offsets(%arg14 : memref<2048xi32, #tpu.memory_space<vmem>>) semaphore(%run_scoped3A : memref<!tpu.dma_semaphore, #tpu.memory_space<semaphore_mem>>)
      %dma_wait3A = arith.constant 0 : i32
      %dma_wait3A_9 = tpu.memref_slice %arg7[%dma_wait3A] : memref<2048xf32, #tpu.memory_space<hbm>> -> memref<2048xf32, #tpu.memory_space<hbm>>
      tpu.wait_indirect_dma semaphore(%run_scoped3A : memref<!tpu.dma_semaphore, #tpu.memory_space<semaphore_mem>>) src(%dma_wait3A_9 : memref<2048xf32, #tpu.memory_space<hbm>>) dst(%arg20 : memref<2048xf32, #tpu.memory_space<vmem>>)
      tpu.yield
    }) : () -> ()
    %scan3A = arith.constant 0 : i32
    %scan3A_3 = arith.constant 0 : i32
    %scan3A_4 = arith.constant 128 : i32
    %scan3A_5 = arith.addi %scan3A_3, %scan3A_4 : i32
    %scan3A_6 = arith.constant 1 : i32
    scf.for %scan3A_8 = %scan3A_3 to %scan3A_5 step %scan3A_6  : i32 {
      %mul3A_9 = arith.constant 16 : i32
      %mul3A_10 = arith.muli %scan3A_8, %mul3A_9 : i32
      %get3A = arith.index_cast %mul3A_10 : i32 to index
      %get3A_11 = tpu.vector_load %arg15[%get3A] {strides = array<i32>} : memref<2048xf32, #tpu.memory_space<vmem>>, vector<16xf32>,
      %get3A_12 = vector.shape_cast %get3A_11 : vector<16xf32> to vector<16xf32>
      %get3A_13 = arith.index_cast %mul3A_10 : i32 to index
      %get3A_14 = tpu.vector_load %arg18[%get3A_13] {strides = array<i32>} : memref<2048xf32, #tpu.memory_space<vmem>>, vector<16xf32>,
      %get3A_15 = vector.shape_cast %get3A_14 : vector<16xf32> to vector<16xf32>
      %sub3A = arith.subf %get3A_12, %get3A_15 : vector<16xf32>
      %swap3A = arith.index_cast %mul3A_10 : i32 to index
      %swap3A_16 = tpu.vector_load %arg15[%swap3A] {strides = array<i32>} : memref<2048xf32, #tpu.memory_space<vmem>>, vector<16xf32>,
      %swap3A_17 = vector.shape_cast %swap3A_16 : vector<16xf32> to vector<16xf32>
      %swap3A_18 = vector.shape_cast %sub3A : vector<16xf32> to vector<16xf32>
      tpu.vector_store %arg15[%swap3A], %swap3A_18 {strides = array<i32>} : memref<2048xf32, #tpu.memory_space<vmem>>, vector<16xf32>,
      %get3A_19 = arith.index_cast %mul3A_10 : i32 to index
      %get3A_20 = tpu.vector_load %arg16[%get3A_19] {strides = array<i32>} : memref<2048xf32, #tpu.memory_space<vmem>>, vector<16xf32>,
      %get3A_21 = vector.shape_cast %get3A_20 : vector<16xf32> to vector<16xf32>
      %get3A_22 = arith.index_cast %mul3A_10 : i32 to index
      %get3A_23 = tpu.vector_load %arg19[%get3A_22] {strides = array<i32>} : memref<2048xf32, #tpu.memory_space<vmem>>, vector<16xf32>,
      %get3A_24 = vector.shape_cast %get3A_23 : vector<16xf32> to vector<16xf32>
      %sub3A_25 = arith.subf %get3A_21, %get3A_24 : vector<16xf32>
      %swap3A_26 = arith.index_cast %mul3A_10 : i32 to index
      %swap3A_27 = tpu.vector_load %arg16[%swap3A_26] {strides = array<i32>} : memref<2048xf32, #tpu.memory_space<vmem>>, vector<16xf32>,
      %swap3A_28 = vector.shape_cast %swap3A_27 : vector<16xf32> to vector<16xf32>
      %swap3A_29 = vector.shape_cast %sub3A_25 : vector<16xf32> to vector<16xf32>
      tpu.vector_store %arg16[%swap3A_26], %swap3A_29 {strides = array<i32>} : memref<2048xf32, #tpu.memory_space<vmem>>, vector<16xf32>,
      %get3A_30 = arith.index_cast %mul3A_10 : i32 to index
      %get3A_31 = tpu.vector_load %arg17[%get3A_30] {strides = array<i32>} : memref<2048xf32, #tpu.memory_space<vmem>>, vector<16xf32>,
      %get3A_32 = vector.shape_cast %get3A_31 : vector<16xf32> to vector<16xf32>
      %get3A_33 = arith.index_cast %mul3A_10 : i32 to index
      %get3A_34 = tpu.vector_load %arg20[%get3A_33] {strides = array<i32>} : memref<2048xf32, #tpu.memory_space<vmem>>, vector<16xf32>,
      %get3A_35 = vector.shape_cast %get3A_34 : vector<16xf32> to vector<16xf32>
      %sub3A_36 = arith.subf %get3A_32, %get3A_35 : vector<16xf32>
      %swap3A_37 = arith.index_cast %mul3A_10 : i32 to index
      %swap3A_38 = tpu.vector_load %arg17[%swap3A_37] {strides = array<i32>} : memref<2048xf32, #tpu.memory_space<vmem>>, vector<16xf32>,
      %swap3A_39 = vector.shape_cast %swap3A_38 : vector<16xf32> to vector<16xf32>
      %swap3A_40 = vector.shape_cast %sub3A_36 : vector<16xf32> to vector<16xf32>
      tpu.vector_store %arg17[%swap3A_37], %swap3A_40 {strides = array<i32>} : memref<2048xf32, #tpu.memory_space<vmem>>, vector<16xf32>,
    }
    %scan3A_7 = arith.constant 128 : i32
    "tpu.region"() ({
      %run_scoped3A = tpu.sem_alloc : memref<!tpu.dma_semaphore, #tpu.memory_space<semaphore_mem>>
      %dma_start3A = tpu.memref_slice %arg10[%mul3A_2] : memref<65536xf32, #tpu.memory_space<hbm>> -> memref<2048xf32, #tpu.memory_space<hbm>>
      %dma_start3A_8 = tpu.memref_slice %arg10[%mul3A_2] : memref<65536xf32, #tpu.memory_space<hbm>> -> memref<2048xf32, #tpu.memory_space<hbm>>
      tpu.enqueue_dma source(%arg15 : memref<2048xf32, #tpu.memory_space<vmem>>) target(%dma_start3A_8 : memref<2048xf32, #tpu.memory_space<hbm>>) target_semaphore(%run_scoped3A : memref<!tpu.dma_semaphore, #tpu.memory_space<semaphore_mem>>)
      %dma_wait3A = tpu.memref_slice %arg10[%mul3A_2] : memref<65536xf32, #tpu.memory_space<hbm>> -> memref<2048xf32, #tpu.memory_space<hbm>>
      %dma_wait3A_9 = tpu.memref_slice %arg10[%mul3A_2] : memref<65536xf32, #tpu.memory_space<hbm>> -> memref<2048xf32, #tpu.memory_space<hbm>>
      tpu.wait_dma2 semaphore(%run_scoped3A : memref<!tpu.dma_semaphore, #tpu.memory_space<semaphore_mem>>) src(%arg15 : memref<2048xf32, #tpu.memory_space<vmem>>) dst(%dma_wait3A_9 : memref<2048xf32, #tpu.memory_space<hbm>>)
      tpu.yield
    }) : () -> ()
    "tpu.region"() ({
      %run_scoped3A = tpu.sem_alloc : memref<!tpu.dma_semaphore, #tpu.memory_space<semaphore_mem>>
      %dma_start3A = tpu.memref_slice %arg11[%mul3A_2] : memref<65536xf32, #tpu.memory_space<hbm>> -> memref<2048xf32, #tpu.memory_space<hbm>>
      %dma_start3A_8 = tpu.memref_slice %arg11[%mul3A_2] : memref<65536xf32, #tpu.memory_space<hbm>> -> memref<2048xf32, #tpu.memory_space<hbm>>
      tpu.enqueue_dma source(%arg16 : memref<2048xf32, #tpu.memory_space<vmem>>) target(%dma_start3A_8 : memref<2048xf32, #tpu.memory_space<hbm>>) target_semaphore(%run_scoped3A : memref<!tpu.dma_semaphore, #tpu.memory_space<semaphore_mem>>)
      %dma_wait3A = tpu.memref_slice %arg11[%mul3A_2] : memref<65536xf32, #tpu.memory_space<hbm>> -> memref<2048xf32, #tpu.memory_space<hbm>>
      %dma_wait3A_9 = tpu.memref_slice %arg11[%mul3A_2] : memref<65536xf32, #tpu.memory_space<hbm>> -> memref<2048xf32, #tpu.memory_space<hbm>>
      tpu.wait_dma2 semaphore(%run_scoped3A : memref<!tpu.dma_semaphore, #tpu.memory_space<semaphore_mem>>) src(%arg16 : memref<2048xf32, #tpu.memory_space<vmem>>) dst(%dma_wait3A_9 : memref<2048xf32, #tpu.memory_space<hbm>>)
      tpu.yield
    }) : () -> ()
    "tpu.region"() ({
      %run_scoped3A = tpu.sem_alloc : memref<!tpu.dma_semaphore, #tpu.memory_space<semaphore_mem>>
      %dma_start3A = tpu.memref_slice %arg12[%mul3A_2] : memref<65536xf32, #tpu.memory_space<hbm>> -> memref<2048xf32, #tpu.memory_space<hbm>>
      %dma_start3A_8 = tpu.memref_slice %arg12[%mul3A_2] : memref<65536xf32, #tpu.memory_space<hbm>> -> memref<2048xf32, #tpu.memory_space<hbm>>
      tpu.enqueue_dma source(%arg17 : memref<2048xf32, #tpu.memory_space<vmem>>) target(%dma_start3A_8 : memref<2048xf32, #tpu.memory_space<hbm>>) target_semaphore(%run_scoped3A : memref<!tpu.dma_semaphore, #tpu.memory_space<semaphore_mem>>)
      %dma_wait3A = tpu.memref_slice %arg12[%mul3A_2] : memref<65536xf32, #tpu.memory_space<hbm>> -> memref<2048xf32, #tpu.memory_space<hbm>>
      %dma_wait3A_9 = tpu.memref_slice %arg12[%mul3A_2] : memref<65536xf32, #tpu.memory_space<hbm>> -> memref<2048xf32, #tpu.memory_space<hbm>>
      tpu.wait_dma2 semaphore(%run_scoped3A : memref<!tpu.dma_semaphore, #tpu.memory_space<semaphore_mem>>) src(%arg17 : memref<2048xf32, #tpu.memory_space<vmem>>) dst(%dma_wait3A_9 : memref<2048xf32, #tpu.memory_space<hbm>>)
      tpu.yield
    }) : () -> ()
    return
  }
}

module attributes {stable_mosaic.version = 14 : i64} {
  func.func @_fps_kernel(%arg0: memref<16x64x128xf32, #tpu.memory_space<vmem>>, %arg1: memref<16x64x128xf32, #tpu.memory_space<vmem>>, %arg2: memref<16x64x128xf32, #tpu.memory_space<vmem>>, %arg3: memref<16x128x3xf32, #tpu.memory_space<vmem>>, %arg4: memref<16x64x128xf32, #tpu.memory_space<vmem>>) attributes {dimension_semantics = [], scalar_prefetch = 0 : i64, scratch_operands = 1 : i64, tpu.core_type = #tpu.core_type<tc>} {
    %get3A = arith.constant 0 : index
    %get3A_0 = arith.constant 0 : index
    %get3A_1 = arith.constant 0 : index
    %get3A_2 = vector.load %arg0[%get3A, %get3A_0, %get3A_1] : memref<16x64x128xf32, #tpu.memory_space<vmem>>, vector<16x64x128xf32>
    %get3A_3 = arith.constant 0 : index
    %get3A_4 = arith.constant 0 : index
    %get3A_5 = arith.constant 0 : index
    %get3A_6 = vector.load %arg1[%get3A_3, %get3A_4, %get3A_5] : memref<16x64x128xf32, #tpu.memory_space<vmem>>, vector<16x64x128xf32>
    %get3A_7 = arith.constant 0 : index
    %get3A_8 = arith.constant 0 : index
    %get3A_9 = arith.constant 0 : index
    %get3A_10 = vector.load %arg2[%get3A_7, %get3A_8, %get3A_9] : memref<16x64x128xf32, #tpu.memory_space<vmem>>, vector<16x64x128xf32>
    %iota3A = tpu.iota {dimensions = array<i32: 1>} : vector<1x64x128xi32>
    %iota3A_11 = tpu.iota {dimensions = array<i32: 2>} : vector<1x64x128xi32>
    %mul3A = arith.constant 128 : i32
    %mul3A_12 = vector.broadcast %mul3A : i32 to vector<1x64x128xi32>
    %mul3A_13 = arith.muli %iota3A, %mul3A_12 : vector<1x64x128xi32>
    %add3A = arith.addi %mul3A_13, %iota3A_11 : vector<1x64x128xi32>
    %broadcast_in_dim3A = arith.constant 1.000000e+10 : f32
    %broadcast_in_dim3A_14 = vector.broadcast %broadcast_in_dim3A : f32 to vector<16x64x128xf32>
    %swap3A = arith.constant 0 : index
    %swap3A_15 = arith.constant 0 : index
    %swap3A_16 = arith.constant 0 : index
    %swap3A_17 = vector.load %arg4[%swap3A, %swap3A_15, %swap3A_16] : memref<16x64x128xf32, #tpu.memory_space<vmem>>, vector<16x64x128xf32>
    tpu.vector_store %arg4[%swap3A, %swap3A_15, %swap3A_16], %broadcast_in_dim3A_14 {strides = array<i32>} : memref<16x64x128xf32, #tpu.memory_space<vmem>>, vector<16x64x128xf32>,
    %broadcast_in_dim3A_18 = arith.constant 0 : i32
    %broadcast_in_dim3A_19 = vector.broadcast %broadcast_in_dim3A_18 : i32 to vector<16x1x1xi32>
    %scan3A = arith.constant 0 : i32
    %scan3A_20 = arith.constant 128 : i32
    %scan3A_21 = arith.addi %scan3A, %scan3A_20 : i32
    %scan3A_22 = arith.constant 1 : i32
    %scan3A_23 = scf.for %scan3A_25 = %scan3A to %scan3A_21 step %scan3A_22 iter_args(%scan3A_26 = %broadcast_in_dim3A_19) -> (vector<16x1x1xi32>)  : i32 {
      %eq3A = vector.broadcast %add3A : vector<1x64x128xi32> to vector<16x64x128xi32>
      %eq3A_27 = vector.broadcast %scan3A_26 : vector<16x1x1xi32> to vector<16x64x128xi32>
      %eq3A_28 = arith.cmpi eq, %eq3A, %eq3A_27 : vector<16x64x128xi32>
      %jit3A = arith.constant 0.000000e+00 : f32
      %broadcast_in_dim3A_29 = vector.broadcast %jit3A : f32 to vector<16x64x128xf32>
      %select_n3A = arith.select %eq3A_28, %get3A_2, %broadcast_in_dim3A_29 : vector<16x64x128xi1>, vector<16x64x128xf32>
      %reduce_sum3A = arith.constant dense<0.000000e+00> : vector<16xf32>
      %reduce_sum3A_30 = vector.multi_reduction <add>, %select_n3A, %reduce_sum3A [1, 2] : vector<16x64x128xf32> to vector<16xf32>
      %broadcast_in_dim3A_31 = vector.shape_cast %reduce_sum3A_30 : vector<16xf32> to vector<16x1x1xf32>
      %jit3A_32 = arith.constant 0.000000e+00 : f32
      %broadcast_in_dim3A_33 = vector.broadcast %jit3A_32 : f32 to vector<16x64x128xf32>
      %select_n3A_34 = arith.select %eq3A_28, %get3A_6, %broadcast_in_dim3A_33 : vector<16x64x128xi1>, vector<16x64x128xf32>
      %reduce_sum3A_35 = arith.constant dense<0.000000e+00> : vector<16xf32>
      %reduce_sum3A_36 = vector.multi_reduction <add>, %select_n3A_34, %reduce_sum3A_35 [1, 2] : vector<16x64x128xf32> to vector<16xf32>
      %broadcast_in_dim3A_37 = vector.shape_cast %reduce_sum3A_36 : vector<16xf32> to vector<16x1x1xf32>
      %jit3A_38 = arith.constant 0.000000e+00 : f32
      %broadcast_in_dim3A_39 = vector.broadcast %jit3A_38 : f32 to vector<16x64x128xf32>
      %select_n3A_40 = arith.select %eq3A_28, %get3A_10, %broadcast_in_dim3A_39 : vector<16x64x128xi1>, vector<16x64x128xf32>
      %reduce_sum3A_41 = arith.constant dense<0.000000e+00> : vector<16xf32>
      %reduce_sum3A_42 = vector.multi_reduction <add>, %select_n3A_40, %reduce_sum3A_41 [1, 2] : vector<16x64x128xf32> to vector<16xf32>
      %broadcast_in_dim3A_43 = vector.shape_cast %reduce_sum3A_42 : vector<16xf32> to vector<16x1x1xf32>
      %squeeze3A = vector.shape_cast %broadcast_in_dim3A_31 : vector<16x1x1xf32> to vector<16x1xf32>
      %squeeze3A_44 = vector.shape_cast %broadcast_in_dim3A_37 : vector<16x1x1xf32> to vector<16x1xf32>
      %squeeze3A_45 = vector.shape_cast %broadcast_in_dim3A_43 : vector<16x1x1xf32> to vector<16x1xf32>
      %concatenate3A = tpu.concatenate %squeeze3A, %squeeze3A_44, %squeeze3A_45 in 1 : vector<16x1xf32>, vector<16x1xf32>, vector<16x1xf32> -> vector<16x3xf32>
      %broadcast_in_dim3A_46 = vector.shape_cast %concatenate3A : vector<16x3xf32> to vector<16x1x3xf32>
      %swap3A_47 = arith.constant 0 : index
      %swap3A_48 = arith.index_cast %scan3A_25 : i32 to index
      %swap3A_49 = arith.constant 0 : index
      %swap3A_50 = vector.load %arg3[%swap3A_47, %swap3A_48, %swap3A_49] : memref<16x128x3xf32, #tpu.memory_space<vmem>>, vector<16x1x3xf32>
      tpu.vector_store %arg3[%swap3A_47, %swap3A_48, %swap3A_49], %broadcast_in_dim3A_46 {strides = array<i32>} : memref<16x128x3xf32, #tpu.memory_space<vmem>>, vector<16x1x3xf32>,
      %sub3A = vector.broadcast %broadcast_in_dim3A_31 : vector<16x1x1xf32> to vector<16x64x128xf32>
      %sub3A_51 = arith.subf %get3A_2, %sub3A : vector<16x64x128xf32>
      %sub3A_52 = vector.broadcast %broadcast_in_dim3A_37 : vector<16x1x1xf32> to vector<16x64x128xf32>
      %sub3A_53 = arith.subf %get3A_6, %sub3A_52 : vector<16x64x128xf32>
      %sub3A_54 = vector.broadcast %broadcast_in_dim3A_43 : vector<16x1x1xf32> to vector<16x64x128xf32>
      %sub3A_55 = arith.subf %get3A_10, %sub3A_54 : vector<16x64x128xf32>
      %mul3A_56 = arith.mulf %sub3A_51, %sub3A_51 : vector<16x64x128xf32>
      %mul3A_57 = arith.mulf %sub3A_53, %sub3A_53 : vector<16x64x128xf32>
      %add3A_58 = arith.addf %mul3A_56, %mul3A_57 : vector<16x64x128xf32>
      %mul3A_59 = arith.mulf %sub3A_55, %sub3A_55 : vector<16x64x128xf32>
      %add3A_60 = arith.addf %add3A_58, %mul3A_59 : vector<16x64x128xf32>
      %get3A_61 = arith.constant 0 : index
      %get3A_62 = arith.constant 0 : index
      %get3A_63 = arith.constant 0 : index
      %get3A_64 = vector.load %arg4[%get3A_61, %get3A_62, %get3A_63] : memref<16x64x128xf32, #tpu.memory_space<vmem>>, vector<16x64x128xf32>
      %min3A = arith.minimumf %get3A_64, %add3A_60 : vector<16x64x128xf32>
      %swap3A_65 = arith.constant 0 : index
      %swap3A_66 = arith.constant 0 : index
      %swap3A_67 = arith.constant 0 : index
      %swap3A_68 = vector.load %arg4[%swap3A_65, %swap3A_66, %swap3A_67] : memref<16x64x128xf32, #tpu.memory_space<vmem>>, vector<16x64x128xf32>
      tpu.vector_store %arg4[%swap3A_65, %swap3A_66, %swap3A_67], %min3A {strides = array<i32>} : memref<16x64x128xf32, #tpu.memory_space<vmem>>, vector<16x64x128xf32>,
      %reduce_max3A = arith.constant dense<0xFF800000> : vector<16xf32>
      %reduce_max3A_69 = vector.multi_reduction <maximumf>, %min3A, %reduce_max3A [1, 2] : vector<16x64x128xf32> to vector<16xf32>
      %broadcast_in_dim3A_70 = vector.shape_cast %reduce_max3A_69 : vector<16xf32> to vector<16x1x1xf32>
      %eq3A_71 = vector.broadcast %broadcast_in_dim3A_70 : vector<16x1x1xf32> to vector<16x64x128xf32>
      %eq3A_72 = arith.cmpf oeq, %min3A, %eq3A_71 : vector<16x64x128xf32>
      %jit3A_73 = arith.constant 8192 : i32
      %broadcast_in_dim3A_74 = vector.shape_cast %add3A : vector<1x64x128xi32> to vector<1x64x128xi32>
      %broadcast_in_dim3A_75 = vector.broadcast %broadcast_in_dim3A_74 : vector<1x64x128xi32> to vector<16x64x128xi32>
      %broadcast_in_dim3A_76 = vector.broadcast %jit3A_73 : i32 to vector<16x64x128xi32>
      %select_n3A_77 = arith.select %eq3A_72, %broadcast_in_dim3A_75, %broadcast_in_dim3A_76 : vector<16x64x128xi1>, vector<16x64x128xi32>
      %reduce_min3A = arith.constant dense<2147483647> : vector<16xi32>
      %reduce_min3A_78 = vector.multi_reduction <minsi>, %select_n3A_77, %reduce_min3A [1, 2] : vector<16x64x128xi32> to vector<16xi32>
      %broadcast_in_dim3A_79 = vector.shape_cast %reduce_min3A_78 : vector<16xi32> to vector<16x1x1xi32>
      scf.yield %broadcast_in_dim3A_79 : vector<16x1x1xi32>
    }
    %scan3A_24 = arith.constant 128 : i32
    return
  }
}

module attributes {stable_mosaic.version = 14 : i64} {
  func.func @_knn_kernel(%arg0: i32, %arg1: memref<1x1x8192xf32, #tpu.memory_space<vmem>>, %arg2: memref<1x1x8192xf32, #tpu.memory_space<vmem>>, %arg3: memref<1x1x8192xf32, #tpu.memory_space<vmem>>, %arg4: memref<1x128x3xf32, #tpu.memory_space<vmem>>, %arg5: memref<1x128x32xi32, #tpu.memory_space<vmem>>, %arg6: memref<1x128x32xi32, #tpu.memory_space<vmem>>, %arg7: memref<128x8192xf32, #tpu.memory_space<vmem>>) attributes {dimension_semantics = [#tpu.dimension_semantics<arbitrary>], iteration_bounds = array<i64: 16>, scalar_prefetch = 0 : i64, scratch_operands = 1 : i64, tpu.core_type = #tpu.core_type<tc>, window_params = [{transform_indices = @transform_0, window_bounds = array<i64: 1, 1, 8192>}, {transform_indices = @transform_1, window_bounds = array<i64: 1, 1, 8192>}, {transform_indices = @transform_2, window_bounds = array<i64: 1, 1, 8192>}, {transform_indices = @transform_3, window_bounds = array<i64: 1, 128, 3>}, {transform_indices = @transform_4, window_bounds = array<i64: 1, 128, 32>}, {transform_indices = @transform_5, window_bounds = array<i64: 1, 128, 32>}]} {
    %get3A = arith.constant 0 : index
    %get3A_0 = arith.constant 0 : index
    %get3A_1 = arith.constant 0 : index
    %get3A_2 = vector.load %arg1[%get3A, %get3A_0, %get3A_1] : memref<1x1x8192xf32, #tpu.memory_space<vmem>>, vector<1x1x8192xf32>
    %get3A_3 = vector.shape_cast %get3A_2 : vector<1x1x8192xf32> to vector<1x8192xf32>
    %get3A_4 = arith.constant 0 : index
    %get3A_5 = arith.constant 0 : index
    %get3A_6 = arith.constant 0 : index
    %get3A_7 = vector.load %arg2[%get3A_4, %get3A_5, %get3A_6] : memref<1x1x8192xf32, #tpu.memory_space<vmem>>, vector<1x1x8192xf32>
    %get3A_8 = vector.shape_cast %get3A_7 : vector<1x1x8192xf32> to vector<1x8192xf32>
    %get3A_9 = arith.constant 0 : index
    %get3A_10 = arith.constant 0 : index
    %get3A_11 = arith.constant 0 : index
    %get3A_12 = vector.load %arg3[%get3A_9, %get3A_10, %get3A_11] : memref<1x1x8192xf32, #tpu.memory_space<vmem>>, vector<1x1x8192xf32>
    %get3A_13 = vector.shape_cast %get3A_12 : vector<1x1x8192xf32> to vector<1x8192xf32>
    %get3A_14 = arith.constant 0 : index
    %get3A_15 = arith.constant 0 : index
    %get3A_16 = arith.constant 0 : index
    %get3A_17 = vector.load %arg4[%get3A_14, %get3A_15, %get3A_16] : memref<1x128x3xf32, #tpu.memory_space<vmem>>, vector<1x128x3xf32>
    %get3A_18 = vector.shape_cast %get3A_17 : vector<1x128x3xf32> to vector<128x3xf32>
    %slice3A = vector.extract_strided_slice %get3A_18 {offsets = [0, 0], sizes = [128, 1], strides = [1, 1]} : vector<128x3xf32> to vector<128x1xf32>
    %slice3A_19 = vector.extract_strided_slice %get3A_18 {offsets = [0, 1], sizes = [128, 1], strides = [1, 1]} : vector<128x3xf32> to vector<128x1xf32>
    %slice3A_20 = vector.extract_strided_slice %get3A_18 {offsets = [0, 2], sizes = [128, 1], strides = [1, 1]} : vector<128x3xf32> to vector<128x1xf32>
    %mul3A = arith.mulf %slice3A, %slice3A : vector<128x1xf32>
    %mul3A_21 = arith.mulf %slice3A_19, %slice3A_19 : vector<128x1xf32>
    %add3A = arith.addf %mul3A, %mul3A_21 : vector<128x1xf32>
    %mul3A_22 = arith.mulf %slice3A_20, %slice3A_20 : vector<128x1xf32>
    %add3A_23 = arith.addf %add3A, %mul3A_22 : vector<128x1xf32>
    %mul3A_24 = arith.mulf %get3A_3, %get3A_3 : vector<1x8192xf32>
    %mul3A_25 = arith.mulf %get3A_8, %get3A_8 : vector<1x8192xf32>
    %add3A_26 = arith.addf %mul3A_24, %mul3A_25 : vector<1x8192xf32>
    %mul3A_27 = arith.mulf %get3A_13, %get3A_13 : vector<1x8192xf32>
    %add3A_28 = arith.addf %add3A_26, %mul3A_27 : vector<1x8192xf32>
    %convert_element_type3A = arith.truncf %slice3A : vector<128x1xf32> to vector<128x1xbf16>
    %convert_element_type3A_29 = arith.extf %convert_element_type3A : vector<128x1xbf16> to vector<128x1xf32>
    %convert_element_type3A_30 = arith.truncf %slice3A_19 : vector<128x1xf32> to vector<128x1xbf16>
    %convert_element_type3A_31 = arith.extf %convert_element_type3A_30 : vector<128x1xbf16> to vector<128x1xf32>
    %convert_element_type3A_32 = arith.truncf %slice3A_20 : vector<128x1xf32> to vector<128x1xbf16>
    %convert_element_type3A_33 = arith.extf %convert_element_type3A_32 : vector<128x1xbf16> to vector<128x1xf32>
    %convert_element_type3A_34 = arith.truncf %get3A_3 : vector<1x8192xf32> to vector<1x8192xbf16>
    %convert_element_type3A_35 = arith.extf %convert_element_type3A_34 : vector<1x8192xbf16> to vector<1x8192xf32>
    %convert_element_type3A_36 = arith.truncf %get3A_8 : vector<1x8192xf32> to vector<1x8192xbf16>
    %convert_element_type3A_37 = arith.extf %convert_element_type3A_36 : vector<1x8192xbf16> to vector<1x8192xf32>
    %convert_element_type3A_38 = arith.truncf %get3A_13 : vector<1x8192xf32> to vector<1x8192xbf16>
    %convert_element_type3A_39 = arith.extf %convert_element_type3A_38 : vector<1x8192xbf16> to vector<1x8192xf32>
    %mul3A_40 = vector.broadcast %convert_element_type3A_29 : vector<128x1xf32> to vector<128x8192xf32>
    %mul3A_41 = vector.broadcast %convert_element_type3A_35 : vector<1x8192xf32> to vector<128x8192xf32>
    %mul3A_42 = arith.mulf %mul3A_40, %mul3A_41 : vector<128x8192xf32>
    %mul3A_43 = vector.broadcast %convert_element_type3A_31 : vector<128x1xf32> to vector<128x8192xf32>
    %mul3A_44 = vector.broadcast %convert_element_type3A_37 : vector<1x8192xf32> to vector<128x8192xf32>
    %mul3A_45 = arith.mulf %mul3A_43, %mul3A_44 : vector<128x8192xf32>
    %add3A_46 = arith.addf %mul3A_42, %mul3A_45 : vector<128x8192xf32>
    %mul3A_47 = vector.broadcast %convert_element_type3A_33 : vector<128x1xf32> to vector<128x8192xf32>
    %mul3A_48 = vector.broadcast %convert_element_type3A_39 : vector<1x8192xf32> to vector<128x8192xf32>
    %mul3A_49 = arith.mulf %mul3A_47, %mul3A_48 : vector<128x8192xf32>
    %add3A_50 = arith.addf %add3A_46, %mul3A_49 : vector<128x8192xf32>
    %add3A_51 = vector.broadcast %add3A_23 : vector<128x1xf32> to vector<128x8192xf32>
    %add3A_52 = vector.broadcast %add3A_28 : vector<1x8192xf32> to vector<128x8192xf32>
    %add3A_53 = arith.addf %add3A_51, %add3A_52 : vector<128x8192xf32>
    %mul3A_54 = arith.constant 2.000000e+00 : f32
    %mul3A_55 = vector.broadcast %mul3A_54 : f32 to vector<128x8192xf32>
    %mul3A_56 = arith.mulf %mul3A_55, %add3A_50 : vector<128x8192xf32>
    %sub3A = arith.subf %add3A_53, %mul3A_56 : vector<128x8192xf32>
    %max3A = arith.constant 0.000000e+00 : f32
    %max3A_57 = vector.broadcast %max3A : f32 to vector<128x8192xf32>
    %max3A_58 = arith.maximumf %sub3A, %max3A_57 : vector<128x8192xf32>
    %sqrt3A = math.sqrt %max3A_58 : vector<128x8192xf32>
    %swap3A = arith.constant 0 : index
    %swap3A_59 = arith.constant 0 : index
    %swap3A_60 = vector.load %arg7[%swap3A, %swap3A_59] : memref<128x8192xf32, #tpu.memory_space<vmem>>, vector<128x8192xf32>
    tpu.vector_store %arg7[%swap3A, %swap3A_59], %sqrt3A {strides = array<i32>} : memref<128x8192xf32, #tpu.memory_space<vmem>>, vector<128x8192xf32>,
    %iota3A = tpu.iota {dimensions = array<i32: 1>} : vector<1x8192xi32>
    %get3A_61 = arith.constant 0 : index
    %get3A_62 = arith.constant 0 : index
    %get3A_63 = vector.load %arg7[%get3A_61, %get3A_62] : memref<128x8192xf32, #tpu.memory_space<vmem>>, vector<128x8192xf32>
    %reduce_min3A = arith.constant dense<0x7F800000> : vector<128xf32>
    %reduce_min3A_64 = vector.multi_reduction <minimumf>, %get3A_63, %reduce_min3A [1] : vector<128x8192xf32> to vector<128xf32>
    %broadcast_in_dim3A = vector.shape_cast %reduce_min3A_64 : vector<128xf32> to vector<128x1xf32>
    %eq3A = vector.broadcast %broadcast_in_dim3A : vector<128x1xf32> to vector<128x8192xf32>
    %eq3A_65 = arith.cmpf oeq, %get3A_63, %eq3A : vector<128x8192xf32>
    %jit3A = arith.constant 8192 : i32
    %broadcast_in_dim3A_66 = vector.shape_cast %iota3A : vector<1x8192xi32> to vector<1x8192xi32>
    %broadcast_in_dim3A_67 = vector.broadcast %broadcast_in_dim3A_66 : vector<1x8192xi32> to vector<128x8192xi32>
    %broadcast_in_dim3A_68 = vector.broadcast %jit3A : i32 to vector<128x8192xi32>
    %select_n3A = arith.select %eq3A_65, %broadcast_in_dim3A_67, %broadcast_in_dim3A_68 : vector<128x8192xi1>, vector<128x8192xi32>
    %reduce_min3A_69 = arith.constant dense<2147483647> : vector<128xi32>
    %reduce_min3A_70 = vector.multi_reduction <minsi>, %select_n3A, %reduce_min3A_69 [1] : vector<128x8192xi32> to vector<128xi32>
    %broadcast_in_dim3A_71 = vector.shape_cast %reduce_min3A_70 : vector<128xi32> to vector<128x1xi32>
    %swap3A_72 = arith.constant 0 : index
    %swap3A_73 = arith.constant 0 : index
    %swap3A_74 = arith.constant 0 : index
    %swap3A_75 = vector.load %arg5[%swap3A_72, %swap3A_73, %swap3A_74] : memref<1x128x32xi32, #tpu.memory_space<vmem>>, vector<1x128x1xi32>
    %swap3A_76 = vector.shape_cast %swap3A_75 : vector<1x128x1xi32> to vector<128x1xi32>
    %swap3A_77 = vector.shape_cast %broadcast_in_dim3A_71 : vector<128x1xi32> to vector<1x128x1xi32>
    tpu.vector_store %arg5[%swap3A_72, %swap3A_73, %swap3A_74], %swap3A_77 {strides = array<i32>} : memref<1x128x32xi32, #tpu.memory_space<vmem>>, vector<1x128x1xi32>,
    %mul3A_78 = arith.constant 8192 : i32
    %mul3A_79 = arith.muli %arg0, %mul3A_78 : i32
    %add3A_80 = vector.broadcast %mul3A_79 : i32 to vector<128x1xi32>
    %add3A_81 = arith.addi %broadcast_in_dim3A_71, %add3A_80 : vector<128x1xi32>
    %swap3A_82 = arith.constant 0 : index
    %swap3A_83 = arith.constant 0 : index
    %swap3A_84 = arith.constant 0 : index
    %swap3A_85 = vector.load %arg6[%swap3A_82, %swap3A_83, %swap3A_84] : memref<1x128x32xi32, #tpu.memory_space<vmem>>, vector<1x128x1xi32>
    %swap3A_86 = vector.shape_cast %swap3A_85 : vector<1x128x1xi32> to vector<128x1xi32>
    %swap3A_87 = vector.shape_cast %add3A_81 : vector<128x1xi32> to vector<1x128x1xi32>
    tpu.vector_store %arg6[%swap3A_82, %swap3A_83, %swap3A_84], %swap3A_87 {strides = array<i32>} : memref<1x128x32xi32, #tpu.memory_space<vmem>>, vector<1x128x1xi32>,
    %eq3A_88 = vector.broadcast %iota3A : vector<1x8192xi32> to vector<128x8192xi32>
    %eq3A_89 = vector.broadcast %broadcast_in_dim3A_71 : vector<128x1xi32> to vector<128x8192xi32>
    %eq3A_90 = arith.cmpi eq, %eq3A_88, %eq3A_89 : vector<128x8192xi32>
    %jit3A_91 = arith.constant 0x7F800000 : f32
    %broadcast_in_dim3A_92 = vector.broadcast %jit3A_91 : f32 to vector<128x8192xf32>
    %select_n3A_93 = arith.select %eq3A_90, %broadcast_in_dim3A_92, %get3A_63 : vector<128x8192xi1>, vector<128x8192xf32>
    %swap3A_94 = arith.constant 0 : index
    %swap3A_95 = arith.constant 0 : index
    %swap3A_96 = vector.load %arg7[%swap3A_94, %swap3A_95] : memref<128x8192xf32, #tpu.memory_space<vmem>>, vector<128x8192xf32>
    tpu.vector_store %arg7[%swap3A_94, %swap3A_95], %select_n3A_93 {strides = array<i32>} : memref<128x8192xf32, #tpu.memory_space<vmem>>, vector<128x8192xf32>,
    %get3A_97 = arith.constant 0 : index
    %get3A_98 = arith.constant 0 : index
    %get3A_99 = vector.load %arg7[%get3A_97, %get3A_98] : memref<128x8192xf32, #tpu.memory_space<vmem>>, vector<128x8192xf32>
    %reduce_min3A_100 = arith.constant dense<0x7F800000> : vector<128xf32>
    %reduce_min3A_101 = vector.multi_reduction <minimumf>, %get3A_99, %reduce_min3A_100 [1] : vector<128x8192xf32> to vector<128xf32>
    %broadcast_in_dim3A_102 = vector.shape_cast %reduce_min3A_101 : vector<128xf32> to vector<128x1xf32>
    %eq3A_103 = vector.broadcast %broadcast_in_dim3A_102 : vector<128x1xf32> to vector<128x8192xf32>
    %eq3A_104 = arith.cmpf oeq, %get3A_99, %eq3A_103 : vector<128x8192xf32>
    %jit3A_105 = arith.constant 8192 : i32
    %broadcast_in_dim3A_106 = vector.shape_cast %iota3A : vector<1x8192xi32> to vector<1x8192xi32>
    %broadcast_in_dim3A_107 = vector.broadcast %broadcast_in_dim3A_106 : vector<1x8192xi32> to vector<128x8192xi32>
    %broadcast_in_dim3A_108 = vector.broadcast %jit3A_105 : i32 to vector<128x8192xi32>
    %select_n3A_109 = arith.select %eq3A_104, %broadcast_in_dim3A_107, %broadcast_in_dim3A_108 : vector<128x8192xi1>, vector<128x8192xi32>
    %reduce_min3A_110 = arith.constant dense<2147483647> : vector<128xi32>
    %reduce_min3A_111 = vector.multi_reduction <minsi>, %select_n3A_109, %reduce_min3A_110 [1] : vector<128x8192xi32> to vector<128xi32>
    %broadcast_in_dim3A_112 = vector.shape_cast %reduce_min3A_111 : vector<128xi32> to vector<128x1xi32>
    %swap3A_113 = arith.constant 0 : index
    %swap3A_114 = arith.constant 0 : index
    %swap3A_115 = arith.constant 1 : index
    %swap3A_116 = vector.load %arg5[%swap3A_113, %swap3A_114, %swap3A_115] : memref<1x128x32xi32, #tpu.memory_space<vmem>>, vector<1x128x1xi32>
    %swap3A_117 = vector.shape_cast %swap3A_116 : vector<1x128x1xi32> to vector<128x1xi32>
    %swap3A_118 = vector.shape_cast %broadcast_in_dim3A_112 : vector<128x1xi32> to vector<1x128x1xi32>
    tpu.vector_store %arg5[%swap3A_113, %swap3A_114, %swap3A_115], %swap3A_118 {strides = array<i32>} : memref<1x128x32xi32, #tpu.memory_space<vmem>>, vector<1x128x1xi32>,
    %mul3A_119 = arith.constant 8192 : i32
    %mul3A_120 = arith.muli %arg0, %mul3A_119 : i32
    %add3A_121 = vector.broadcast %mul3A_120 : i32 to vector<128x1xi32>
    %add3A_122 = arith.addi %broadcast_in_dim3A_112, %add3A_121 : vector<128x1xi32>
    %swap3A_123 = arith.constant 0 : index
    %swap3A_124 = arith.constant 0 : index
    %swap3A_125 = arith.constant 1 : index
    %swap3A_126 = vector.load %arg6[%swap3A_123, %swap3A_124, %swap3A_125] : memref<1x128x32xi32, #tpu.memory_space<vmem>>, vector<1x128x1xi32>
    %swap3A_127 = vector.shape_cast %swap3A_126 : vector<1x128x1xi32> to vector<128x1xi32>
    %swap3A_128 = vector.shape_cast %add3A_122 : vector<128x1xi32> to vector<1x128x1xi32>
    tpu.vector_store %arg6[%swap3A_123, %swap3A_124, %swap3A_125], %swap3A_128 {strides = array<i32>} : memref<1x128x32xi32, #tpu.memory_space<vmem>>, vector<1x128x1xi32>,
    %eq3A_129 = vector.broadcast %iota3A : vector<1x8192xi32> to vector<128x8192xi32>
    %eq3A_130 = vector.broadcast %broadcast_in_dim3A_112 : vector<128x1xi32> to vector<128x8192xi32>
    %eq3A_131 = arith.cmpi eq, %eq3A_129, %eq3A_130 : vector<128x8192xi32>
    %jit3A_132 = arith.constant 0x7F800000 : f32
    %broadcast_in_dim3A_133 = vector.broadcast %jit3A_132 : f32 to vector<128x8192xf32>
    %select_n3A_134 = arith.select %eq3A_131, %broadcast_in_dim3A_133, %get3A_99 : vector<128x8192xi1>, vector<128x8192xf32>
    %swap3A_135 = arith.constant 0 : index
    %swap3A_136 = arith.constant 0 : index
    %swap3A_137 = vector.load %arg7[%swap3A_135, %swap3A_136] : memref<128x8192xf32, #tpu.memory_space<vmem>>, vector<128x8192xf32>
    tpu.vector_store %arg7[%swap3A_135, %swap3A_136], %select_n3A_134 {strides = array<i32>} : memref<128x8192xf32, #tpu.memory_space<vmem>>, vector<128x8192xf32>,
    %get3A_138 = arith.constant 0 : index
    %get3A_139 = arith.constant 0 : index
    %get3A_140 = vector.load %arg7[%get3A_138, %get3A_139] : memref<128x8192xf32, #tpu.memory_space<vmem>>, vector<128x8192xf32>
    %reduce_min3A_141 = arith.constant dense<0x7F800000> : vector<128xf32>
    %reduce_min3A_142 = vector.multi_reduction <minimumf>, %get3A_140, %reduce_min3A_141 [1] : vector<128x8192xf32> to vector<128xf32>
    %broadcast_in_dim3A_143 = vector.shape_cast %reduce_min3A_142 : vector<128xf32> to vector<128x1xf32>
    %eq3A_144 = vector.broadcast %broadcast_in_dim3A_143 : vector<128x1xf32> to vector<128x8192xf32>
    %eq3A_145 = arith.cmpf oeq, %get3A_140, %eq3A_144 : vector<128x8192xf32>
    %jit3A_146 = arith.constant 8192 : i32
    %broadcast_in_dim3A_147 = vector.shape_cast %iota3A : vector<1x8192xi32> to vector<1x8192xi32>
    %broadcast_in_dim3A_148 = vector.broadcast %broadcast_in_dim3A_147 : vector<1x8192xi32> to vector<128x8192xi32>
    %broadcast_in_dim3A_149 = vector.broadcast %jit3A_146 : i32 to vector<128x8192xi32>
    %select_n3A_150 = arith.select %eq3A_145, %broadcast_in_dim3A_148, %broadcast_in_dim3A_149 : vector<128x8192xi1>, vector<128x8192xi32>
    %reduce_min3A_151 = arith.constant dense<2147483647> : vector<128xi32>
    %reduce_min3A_152 = vector.multi_reduction <minsi>, %select_n3A_150, %reduce_min3A_151 [1] : vector<128x8192xi32> to vector<128xi32>
    %broadcast_in_dim3A_153 = vector.shape_cast %reduce_min3A_152 : vector<128xi32> to vector<128x1xi32>
    %swap3A_154 = arith.constant 0 : index
    %swap3A_155 = arith.constant 0 : index
    %swap3A_156 = arith.constant 2 : index
    %swap3A_157 = vector.load %arg5[%swap3A_154, %swap3A_155, %swap3A_156] : memref<1x128x32xi32, #tpu.memory_space<vmem>>, vector<1x128x1xi32>
    %swap3A_158 = vector.shape_cast %swap3A_157 : vector<1x128x1xi32> to vector<128x1xi32>
    %swap3A_159 = vector.shape_cast %broadcast_in_dim3A_153 : vector<128x1xi32> to vector<1x128x1xi32>
    tpu.vector_store %arg5[%swap3A_154, %swap3A_155, %swap3A_156], %swap3A_159 {strides = array<i32>} : memref<1x128x32xi32, #tpu.memory_space<vmem>>, vector<1x128x1xi32>,
    %mul3A_160 = arith.constant 8192 : i32
    %mul3A_161 = arith.muli %arg0, %mul3A_160 : i32
    %add3A_162 = vector.broadcast %mul3A_161 : i32 to vector<128x1xi32>
    %add3A_163 = arith.addi %broadcast_in_dim3A_153, %add3A_162 : vector<128x1xi32>
    %swap3A_164 = arith.constant 0 : index
    %swap3A_165 = arith.constant 0 : index
    %swap3A_166 = arith.constant 2 : index
    %swap3A_167 = vector.load %arg6[%swap3A_164, %swap3A_165, %swap3A_166] : memref<1x128x32xi32, #tpu.memory_space<vmem>>, vector<1x128x1xi32>
    %swap3A_168 = vector.shape_cast %swap3A_167 : vector<1x128x1xi32> to vector<128x1xi32>
    %swap3A_169 = vector.shape_cast %add3A_163 : vector<128x1xi32> to vector<1x128x1xi32>
    tpu.vector_store %arg6[%swap3A_164, %swap3A_165, %swap3A_166], %swap3A_169 {strides = array<i32>} : memref<1x128x32xi32, #tpu.memory_space<vmem>>, vector<1x128x1xi32>,
    %eq3A_170 = vector.broadcast %iota3A : vector<1x8192xi32> to vector<128x8192xi32>
    %eq3A_171 = vector.broadcast %broadcast_in_dim3A_153 : vector<128x1xi32> to vector<128x8192xi32>
    %eq3A_172 = arith.cmpi eq, %eq3A_170, %eq3A_171 : vector<128x8192xi32>
    %jit3A_173 = arith.constant 0x7F800000 : f32
    %broadcast_in_dim3A_174 = vector.broadcast %jit3A_173 : f32 to vector<128x8192xf32>
    %select_n3A_175 = arith.select %eq3A_172, %broadcast_in_dim3A_174, %get3A_140 : vector<128x8192xi1>, vector<128x8192xf32>
    %swap3A_176 = arith.constant 0 : index
    %swap3A_177 = arith.constant 0 : index
    %swap3A_178 = vector.load %arg7[%swap3A_176, %swap3A_177] : memref<128x8192xf32, #tpu.memory_space<vmem>>, vector<128x8192xf32>
    tpu.vector_store %arg7[%swap3A_176, %swap3A_177], %select_n3A_175 {strides = array<i32>} : memref<128x8192xf32, #tpu.memory_space<vmem>>, vector<128x8192xf32>,
    %get3A_179 = arith.constant 0 : index
    %get3A_180 = arith.constant 0 : index
    %get3A_181 = vector.load %arg7[%get3A_179, %get3A_180] : memref<128x8192xf32, #tpu.memory_space<vmem>>, vector<128x8192xf32>
    %reduce_min3A_182 = arith.constant dense<0x7F800000> : vector<128xf32>
    %reduce_min3A_183 = vector.multi_reduction <minimumf>, %get3A_181, %reduce_min3A_182 [1] : vector<128x8192xf32> to vector<128xf32>
    %broadcast_in_dim3A_184 = vector.shape_cast %reduce_min3A_183 : vector<128xf32> to vector<128x1xf32>
    %eq3A_185 = vector.broadcast %broadcast_in_dim3A_184 : vector<128x1xf32> to vector<128x8192xf32>
    %eq3A_186 = arith.cmpf oeq, %get3A_181, %eq3A_185 : vector<128x8192xf32>
    %jit3A_187 = arith.constant 8192 : i32
    %broadcast_in_dim3A_188 = vector.shape_cast %iota3A : vector<1x8192xi32> to vector<1x8192xi32>
    %broadcast_in_dim3A_189 = vector.broadcast %broadcast_in_dim3A_188 : vector<1x8192xi32> to vector<128x8192xi32>
    %broadcast_in_dim3A_190 = vector.broadcast %jit3A_187 : i32 to vector<128x8192xi32>
    %select_n3A_191 = arith.select %eq3A_186, %broadcast_in_dim3A_189, %broadcast_in_dim3A_190 : vector<128x8192xi1>, vector<128x8192xi32>
    %reduce_min3A_192 = arith.constant dense<2147483647> : vector<128xi32>
    %reduce_min3A_193 = vector.multi_reduction <minsi>, %select_n3A_191, %reduce_min3A_192 [1] : vector<128x8192xi32> to vector<128xi32>
    %broadcast_in_dim3A_194 = vector.shape_cast %reduce_min3A_193 : vector<128xi32> to vector<128x1xi32>
    %swap3A_195 = arith.constant 0 : index
    %swap3A_196 = arith.constant 0 : index
    %swap3A_197 = arith.constant 3 : index
    %swap3A_198 = vector.load %arg5[%swap3A_195, %swap3A_196, %swap3A_197] : memref<1x128x32xi32, #tpu.memory_space<vmem>>, vector<1x128x1xi32>
    %swap3A_199 = vector.shape_cast %swap3A_198 : vector<1x128x1xi32> to vector<128x1xi32>
    %swap3A_200 = vector.shape_cast %broadcast_in_dim3A_194 : vector<128x1xi32> to vector<1x128x1xi32>
    tpu.vector_store %arg5[%swap3A_195, %swap3A_196, %swap3A_197], %swap3A_200 {strides = array<i32>} : memref<1x128x32xi32, #tpu.memory_space<vmem>>, vector<1x128x1xi32>,
    %mul3A_201 = arith.constant 8192 : i32
    %mul3A_202 = arith.muli %arg0, %mul3A_201 : i32
    %add3A_203 = vector.broadcast %mul3A_202 : i32 to vector<128x1xi32>
    %add3A_204 = arith.addi %broadcast_in_dim3A_194, %add3A_203 : vector<128x1xi32>
    %swap3A_205 = arith.constant 0 : index
    %swap3A_206 = arith.constant 0 : index
    %swap3A_207 = arith.constant 3 : index
    %swap3A_208 = vector.load %arg6[%swap3A_205, %swap3A_206, %swap3A_207] : memref<1x128x32xi32, #tpu.memory_space<vmem>>, vector<1x128x1xi32>
    %swap3A_209 = vector.shape_cast %swap3A_208 : vector<1x128x1xi32> to vector<128x1xi32>
    %swap3A_210 = vector.shape_cast %add3A_204 : vector<128x1xi32> to vector<1x128x1xi32>
    tpu.vector_store %arg6[%swap3A_205, %swap3A_206, %swap3A_207], %swap3A_210 {strides = array<i32>} : memref<1x128x32xi32, #tpu.memory_space<vmem>>, vector<1x128x1xi32>,
    %eq3A_211 = vector.broadcast %iota3A : vector<1x8192xi32> to vector<128x8192xi32>
    %eq3A_212 = vector.broadcast %broadcast_in_dim3A_194 : vector<128x1xi32> to vector<128x8192xi32>
    %eq3A_213 = arith.cmpi eq, %eq3A_211, %eq3A_212 : vector<128x8192xi32>
    %jit3A_214 = arith.constant 0x7F800000 : f32
    %broadcast_in_dim3A_215 = vector.broadcast %jit3A_214 : f32 to vector<128x8192xf32>
    %select_n3A_216 = arith.select %eq3A_213, %broadcast_in_dim3A_215, %get3A_181 : vector<128x8192xi1>, vector<128x8192xf32>
    %swap3A_217 = arith.constant 0 : index
    %swap3A_218 = arith.constant 0 : index
    %swap3A_219 = vector.load %arg7[%swap3A_217, %swap3A_218] : memref<128x8192xf32, #tpu.memory_space<vmem>>, vector<128x8192xf32>
    tpu.vector_store %arg7[%swap3A_217, %swap3A_218], %select_n3A_216 {strides = array<i32>} : memref<128x8192xf32, #tpu.memory_space<vmem>>, vector<128x8192xf32>,
    %get3A_220 = arith.constant 0 : index
    %get3A_221 = arith.constant 0 : index
    %get3A_222 = vector.load %arg7[%get3A_220, %get3A_221] : memref<128x8192xf32, #tpu.memory_space<vmem>>, vector<128x8192xf32>
    %reduce_min3A_223 = arith.constant dense<0x7F800000> : vector<128xf32>
    %reduce_min3A_224 = vector.multi_reduction <minimumf>, %get3A_222, %reduce_min3A_223 [1] : vector<128x8192xf32> to vector<128xf32>
    %broadcast_in_dim3A_225 = vector.shape_cast %reduce_min3A_224 : vector<128xf32> to vector<128x1xf32>
    %eq3A_226 = vector.broadcast %broadcast_in_dim3A_225 : vector<128x1xf32> to vector<128x8192xf32>
    %eq3A_227 = arith.cmpf oeq, %get3A_222, %eq3A_226 : vector<128x8192xf32>
    %jit3A_228 = arith.constant 8192 : i32
    %broadcast_in_dim3A_229 = vector.shape_cast %iota3A : vector<1x8192xi32> to vector<1x8192xi32>
    %broadcast_in_dim3A_230 = vector.broadcast %broadcast_in_dim3A_229 : vector<1x8192xi32> to vector<128x8192xi32>
    %broadcast_in_dim3A_231 = vector.broadcast %jit3A_228 : i32 to vector<128x8192xi32>
    %select_n3A_232 = arith.select %eq3A_227, %broadcast_in_dim3A_230, %broadcast_in_dim3A_231 : vector<128x8192xi1>, vector<128x8192xi32>
    %reduce_min3A_233 = arith.constant dense<2147483647> : vector<128xi32>
    %reduce_min3A_234 = vector.multi_reduction <minsi>, %select_n3A_232, %reduce_min3A_233 [1] : vector<128x8192xi32> to vector<128xi32>
    %broadcast_in_dim3A_235 = vector.shape_cast %reduce_min3A_234 : vector<128xi32> to vector<128x1xi32>
    %swap3A_236 = arith.constant 0 : index
    %swap3A_237 = arith.constant 0 : index
    %swap3A_238 = arith.constant 4 : index
    %swap3A_239 = vector.load %arg5[%swap3A_236, %swap3A_237, %swap3A_238] : memref<1x128x32xi32, #tpu.memory_space<vmem>>, vector<1x128x1xi32>
    %swap3A_240 = vector.shape_cast %swap3A_239 : vector<1x128x1xi32> to vector<128x1xi32>
    %swap3A_241 = vector.shape_cast %broadcast_in_dim3A_235 : vector<128x1xi32> to vector<1x128x1xi32>
    tpu.vector_store %arg5[%swap3A_236, %swap3A_237, %swap3A_238], %swap3A_241 {strides = array<i32>} : memref<1x128x32xi32, #tpu.memory_space<vmem>>, vector<1x128x1xi32>,
    %mul3A_242 = arith.constant 8192 : i32
    %mul3A_243 = arith.muli %arg0, %mul3A_242 : i32
    %add3A_244 = vector.broadcast %mul3A_243 : i32 to vector<128x1xi32>
    %add3A_245 = arith.addi %broadcast_in_dim3A_235, %add3A_244 : vector<128x1xi32>
    %swap3A_246 = arith.constant 0 : index
    %swap3A_247 = arith.constant 0 : index
    %swap3A_248 = arith.constant 4 : index
    %swap3A_249 = vector.load %arg6[%swap3A_246, %swap3A_247, %swap3A_248] : memref<1x128x32xi32, #tpu.memory_space<vmem>>, vector<1x128x1xi32>
    %swap3A_250 = vector.shape_cast %swap3A_249 : vector<1x128x1xi32> to vector<128x1xi32>
    %swap3A_251 = vector.shape_cast %add3A_245 : vector<128x1xi32> to vector<1x128x1xi32>
    tpu.vector_store %arg6[%swap3A_246, %swap3A_247, %swap3A_248], %swap3A_251 {strides = array<i32>} : memref<1x128x32xi32, #tpu.memory_space<vmem>>, vector<1x128x1xi32>,
    %eq3A_252 = vector.broadcast %iota3A : vector<1x8192xi32> to vector<128x8192xi32>
    %eq3A_253 = vector.broadcast %broadcast_in_dim3A_235 : vector<128x1xi32> to vector<128x8192xi32>
    %eq3A_254 = arith.cmpi eq, %eq3A_252, %eq3A_253 : vector<128x8192xi32>
    %jit3A_255 = arith.constant 0x7F800000 : f32
    %broadcast_in_dim3A_256 = vector.broadcast %jit3A_255 : f32 to vector<128x8192xf32>
    %select_n3A_257 = arith.select %eq3A_254, %broadcast_in_dim3A_256, %get3A_222 : vector<128x8192xi1>, vector<128x8192xf32>
    %swap3A_258 = arith.constant 0 : index
    %swap3A_259 = arith.constant 0 : index
    %swap3A_260 = vector.load %arg7[%swap3A_258, %swap3A_259] : memref<128x8192xf32, #tpu.memory_space<vmem>>, vector<128x8192xf32>
    tpu.vector_store %arg7[%swap3A_258, %swap3A_259], %select_n3A_257 {strides = array<i32>} : memref<128x8192xf32, #tpu.memory_space<vmem>>, vector<128x8192xf32>,
    %get3A_261 = arith.constant 0 : index
    %get3A_262 = arith.constant 0 : index
    %get3A_263 = vector.load %arg7[%get3A_261, %get3A_262] : memref<128x8192xf32, #tpu.memory_space<vmem>>, vector<128x8192xf32>
    %reduce_min3A_264 = arith.constant dense<0x7F800000> : vector<128xf32>
    %reduce_min3A_265 = vector.multi_reduction <minimumf>, %get3A_263, %reduce_min3A_264 [1] : vector<128x8192xf32> to vector<128xf32>
    %broadcast_in_dim3A_266 = vector.shape_cast %reduce_min3A_265 : vector<128xf32> to vector<128x1xf32>
    %eq3A_267 = vector.broadcast %broadcast_in_dim3A_266 : vector<128x1xf32> to vector<128x8192xf32>
    %eq3A_268 = arith.cmpf oeq, %get3A_263, %eq3A_267 : vector<128x8192xf32>
    %jit3A_269 = arith.constant 8192 : i32
    %broadcast_in_dim3A_270 = vector.shape_cast %iota3A : vector<1x8192xi32> to vector<1x8192xi32>
    %broadcast_in_dim3A_271 = vector.broadcast %broadcast_in_dim3A_270 : vector<1x8192xi32> to vector<128x8192xi32>
    %broadcast_in_dim3A_272 = vector.broadcast %jit3A_269 : i32 to vector<128x8192xi32>
    %select_n3A_273 = arith.select %eq3A_268, %broadcast_in_dim3A_271, %broadcast_in_dim3A_272 : vector<128x8192xi1>, vector<128x8192xi32>
    %reduce_min3A_274 = arith.constant dense<2147483647> : vector<128xi32>
    %reduce_min3A_275 = vector.multi_reduction <minsi>, %select_n3A_273, %reduce_min3A_274 [1] : vector<128x8192xi32> to vector<128xi32>
    %broadcast_in_dim3A_276 = vector.shape_cast %reduce_min3A_275 : vector<128xi32> to vector<128x1xi32>
    %swap3A_277 = arith.constant 0 : index
    %swap3A_278 = arith.constant 0 : index
    %swap3A_279 = arith.constant 5 : index
    %swap3A_280 = vector.load %arg5[%swap3A_277, %swap3A_278, %swap3A_279] : memref<1x128x32xi32, #tpu.memory_space<vmem>>, vector<1x128x1xi32>
    %swap3A_281 = vector.shape_cast %swap3A_280 : vector<1x128x1xi32> to vector<128x1xi32>
    %swap3A_282 = vector.shape_cast %broadcast_in_dim3A_276 : vector<128x1xi32> to vector<1x128x1xi32>
    tpu.vector_store %arg5[%swap3A_277, %swap3A_278, %swap3A_279], %swap3A_282 {strides = array<i32>} : memref<1x128x32xi32, #tpu.memory_space<vmem>>, vector<1x128x1xi32>,
    %mul3A_283 = arith.constant 8192 : i32
    %mul3A_284 = arith.muli %arg0, %mul3A_283 : i32
    %add3A_285 = vector.broadcast %mul3A_284 : i32 to vector<128x1xi32>
    %add3A_286 = arith.addi %broadcast_in_dim3A_276, %add3A_285 : vector<128x1xi32>
    %swap3A_287 = arith.constant 0 : index
    %swap3A_288 = arith.constant 0 : index
    %swap3A_289 = arith.constant 5 : index
    %swap3A_290 = vector.load %arg6[%swap3A_287, %swap3A_288, %swap3A_289] : memref<1x128x32xi32, #tpu.memory_space<vmem>>, vector<1x128x1xi32>
    %swap3A_291 = vector.shape_cast %swap3A_290 : vector<1x128x1xi32> to vector<128x1xi32>
    %swap3A_292 = vector.shape_cast %add3A_286 : vector<128x1xi32> to vector<1x128x1xi32>
    tpu.vector_store %arg6[%swap3A_287, %swap3A_288, %swap3A_289], %swap3A_292 {strides = array<i32>} : memref<1x128x32xi32, #tpu.memory_space<vmem>>, vector<1x128x1xi32>,
    %eq3A_293 = vector.broadcast %iota3A : vector<1x8192xi32> to vector<128x8192xi32>
    %eq3A_294 = vector.broadcast %broadcast_in_dim3A_276 : vector<128x1xi32> to vector<128x8192xi32>
    %eq3A_295 = arith.cmpi eq, %eq3A_293, %eq3A_294 : vector<128x8192xi32>
    %jit3A_296 = arith.constant 0x7F800000 : f32
    %broadcast_in_dim3A_297 = vector.broadcast %jit3A_296 : f32 to vector<128x8192xf32>
    %select_n3A_298 = arith.select %eq3A_295, %broadcast_in_dim3A_297, %get3A_263 : vector<128x8192xi1>, vector<128x8192xf32>
    %swap3A_299 = arith.constant 0 : index
    %swap3A_300 = arith.constant 0 : index
    %swap3A_301 = vector.load %arg7[%swap3A_299, %swap3A_300] : memref<128x8192xf32, #tpu.memory_space<vmem>>, vector<128x8192xf32>
    tpu.vector_store %arg7[%swap3A_299, %swap3A_300], %select_n3A_298 {strides = array<i32>} : memref<128x8192xf32, #tpu.memory_space<vmem>>, vector<128x8192xf32>,
    %get3A_302 = arith.constant 0 : index
    %get3A_303 = arith.constant 0 : index
    %get3A_304 = vector.load %arg7[%get3A_302, %get3A_303] : memref<128x8192xf32, #tpu.memory_space<vmem>>, vector<128x8192xf32>
    %reduce_min3A_305 = arith.constant dense<0x7F800000> : vector<128xf32>
    %reduce_min3A_306 = vector.multi_reduction <minimumf>, %get3A_304, %reduce_min3A_305 [1] : vector<128x8192xf32> to vector<128xf32>
    %broadcast_in_dim3A_307 = vector.shape_cast %reduce_min3A_306 : vector<128xf32> to vector<128x1xf32>
    %eq3A_308 = vector.broadcast %broadcast_in_dim3A_307 : vector<128x1xf32> to vector<128x8192xf32>
    %eq3A_309 = arith.cmpf oeq, %get3A_304, %eq3A_308 : vector<128x8192xf32>
    %jit3A_310 = arith.constant 8192 : i32
    %broadcast_in_dim3A_311 = vector.shape_cast %iota3A : vector<1x8192xi32> to vector<1x8192xi32>
    %broadcast_in_dim3A_312 = vector.broadcast %broadcast_in_dim3A_311 : vector<1x8192xi32> to vector<128x8192xi32>
    %broadcast_in_dim3A_313 = vector.broadcast %jit3A_310 : i32 to vector<128x8192xi32>
    %select_n3A_314 = arith.select %eq3A_309, %broadcast_in_dim3A_312, %broadcast_in_dim3A_313 : vector<128x8192xi1>, vector<128x8192xi32>
    %reduce_min3A_315 = arith.constant dense<2147483647> : vector<128xi32>
    %reduce_min3A_316 = vector.multi_reduction <minsi>, %select_n3A_314, %reduce_min3A_315 [1] : vector<128x8192xi32> to vector<128xi32>
    %broadcast_in_dim3A_317 = vector.shape_cast %reduce_min3A_316 : vector<128xi32> to vector<128x1xi32>
    %swap3A_318 = arith.constant 0 : index
    %swap3A_319 = arith.constant 0 : index
    %swap3A_320 = arith.constant 6 : index
    %swap3A_321 = vector.load %arg5[%swap3A_318, %swap3A_319, %swap3A_320] : memref<1x128x32xi32, #tpu.memory_space<vmem>>, vector<1x128x1xi32>
    %swap3A_322 = vector.shape_cast %swap3A_321 : vector<1x128x1xi32> to vector<128x1xi32>
    %swap3A_323 = vector.shape_cast %broadcast_in_dim3A_317 : vector<128x1xi32> to vector<1x128x1xi32>
    tpu.vector_store %arg5[%swap3A_318, %swap3A_319, %swap3A_320], %swap3A_323 {strides = array<i32>} : memref<1x128x32xi32, #tpu.memory_space<vmem>>, vector<1x128x1xi32>,
    %mul3A_324 = arith.constant 8192 : i32
    %mul3A_325 = arith.muli %arg0, %mul3A_324 : i32
    %add3A_326 = vector.broadcast %mul3A_325 : i32 to vector<128x1xi32>
    %add3A_327 = arith.addi %broadcast_in_dim3A_317, %add3A_326 : vector<128x1xi32>
    %swap3A_328 = arith.constant 0 : index
    %swap3A_329 = arith.constant 0 : index
    %swap3A_330 = arith.constant 6 : index
    %swap3A_331 = vector.load %arg6[%swap3A_328, %swap3A_329, %swap3A_330] : memref<1x128x32xi32, #tpu.memory_space<vmem>>, vector<1x128x1xi32>
    %swap3A_332 = vector.shape_cast %swap3A_331 : vector<1x128x1xi32> to vector<128x1xi32>
    %swap3A_333 = vector.shape_cast %add3A_327 : vector<128x1xi32> to vector<1x128x1xi32>
    tpu.vector_store %arg6[%swap3A_328, %swap3A_329, %swap3A_330], %swap3A_333 {strides = array<i32>} : memref<1x128x32xi32, #tpu.memory_space<vmem>>, vector<1x128x1xi32>,
    %eq3A_334 = vector.broadcast %iota3A : vector<1x8192xi32> to vector<128x8192xi32>
    %eq3A_335 = vector.broadcast %broadcast_in_dim3A_317 : vector<128x1xi32> to vector<128x8192xi32>
    %eq3A_336 = arith.cmpi eq, %eq3A_334, %eq3A_335 : vector<128x8192xi32>
    %jit3A_337 = arith.constant 0x7F800000 : f32
    %broadcast_in_dim3A_338 = vector.broadcast %jit3A_337 : f32 to vector<128x8192xf32>
    %select_n3A_339 = arith.select %eq3A_336, %broadcast_in_dim3A_338, %get3A_304 : vector<128x8192xi1>, vector<128x8192xf32>
    %swap3A_340 = arith.constant 0 : index
    %swap3A_341 = arith.constant 0 : index
    %swap3A_342 = vector.load %arg7[%swap3A_340, %swap3A_341] : memref<128x8192xf32, #tpu.memory_space<vmem>>, vector<128x8192xf32>
    tpu.vector_store %arg7[%swap3A_340, %swap3A_341], %select_n3A_339 {strides = array<i32>} : memref<128x8192xf32, #tpu.memory_space<vmem>>, vector<128x8192xf32>,
    %get3A_343 = arith.constant 0 : index
    %get3A_344 = arith.constant 0 : index
    %get3A_345 = vector.load %arg7[%get3A_343, %get3A_344] : memref<128x8192xf32, #tpu.memory_space<vmem>>, vector<128x8192xf32>
    %reduce_min3A_346 = arith.constant dense<0x7F800000> : vector<128xf32>
    %reduce_min3A_347 = vector.multi_reduction <minimumf>, %get3A_345, %reduce_min3A_346 [1] : vector<128x8192xf32> to vector<128xf32>
    %broadcast_in_dim3A_348 = vector.shape_cast %reduce_min3A_347 : vector<128xf32> to vector<128x1xf32>
    %eq3A_349 = vector.broadcast %broadcast_in_dim3A_348 : vector<128x1xf32> to vector<128x8192xf32>
    %eq3A_350 = arith.cmpf oeq, %get3A_345, %eq3A_349 : vector<128x8192xf32>
    %jit3A_351 = arith.constant 8192 : i32
    %broadcast_in_dim3A_352 = vector.shape_cast %iota3A : vector<1x8192xi32> to vector<1x8192xi32>
    %broadcast_in_dim3A_353 = vector.broadcast %broadcast_in_dim3A_352 : vector<1x8192xi32> to vector<128x8192xi32>
    %broadcast_in_dim3A_354 = vector.broadcast %jit3A_351 : i32 to vector<128x8192xi32>
    %select_n3A_355 = arith.select %eq3A_350, %broadcast_in_dim3A_353, %broadcast_in_dim3A_354 : vector<128x8192xi1>, vector<128x8192xi32>
    %reduce_min3A_356 = arith.constant dense<2147483647> : vector<128xi32>
    %reduce_min3A_357 = vector.multi_reduction <minsi>, %select_n3A_355, %reduce_min3A_356 [1] : vector<128x8192xi32> to vector<128xi32>
    %broadcast_in_dim3A_358 = vector.shape_cast %reduce_min3A_357 : vector<128xi32> to vector<128x1xi32>
    %swap3A_359 = arith.constant 0 : index
    %swap3A_360 = arith.constant 0 : index
    %swap3A_361 = arith.constant 7 : index
    %swap3A_362 = vector.load %arg5[%swap3A_359, %swap3A_360, %swap3A_361] : memref<1x128x32xi32, #tpu.memory_space<vmem>>, vector<1x128x1xi32>
    %swap3A_363 = vector.shape_cast %swap3A_362 : vector<1x128x1xi32> to vector<128x1xi32>
    %swap3A_364 = vector.shape_cast %broadcast_in_dim3A_358 : vector<128x1xi32> to vector<1x128x1xi32>
    tpu.vector_store %arg5[%swap3A_359, %swap3A_360, %swap3A_361], %swap3A_364 {strides = array<i32>} : memref<1x128x32xi32, #tpu.memory_space<vmem>>, vector<1x128x1xi32>,
    %mul3A_365 = arith.constant 8192 : i32
    %mul3A_366 = arith.muli %arg0, %mul3A_365 : i32
    %add3A_367 = vector.broadcast %mul3A_366 : i32 to vector<128x1xi32>
    %add3A_368 = arith.addi %broadcast_in_dim3A_358, %add3A_367 : vector<128x1xi32>
    %swap3A_369 = arith.constant 0 : index
    %swap3A_370 = arith.constant 0 : index
    %swap3A_371 = arith.constant 7 : index
    %swap3A_372 = vector.load %arg6[%swap3A_369, %swap3A_370, %swap3A_371] : memref<1x128x32xi32, #tpu.memory_space<vmem>>, vector<1x128x1xi32>
    %swap3A_373 = vector.shape_cast %swap3A_372 : vector<1x128x1xi32> to vector<128x1xi32>
    %swap3A_374 = vector.shape_cast %add3A_368 : vector<128x1xi32> to vector<1x128x1xi32>
    tpu.vector_store %arg6[%swap3A_369, %swap3A_370, %swap3A_371], %swap3A_374 {strides = array<i32>} : memref<1x128x32xi32, #tpu.memory_space<vmem>>, vector<1x128x1xi32>,
    %eq3A_375 = vector.broadcast %iota3A : vector<1x8192xi32> to vector<128x8192xi32>
    %eq3A_376 = vector.broadcast %broadcast_in_dim3A_358 : vector<128x1xi32> to vector<128x8192xi32>
    %eq3A_377 = arith.cmpi eq, %eq3A_375, %eq3A_376 : vector<128x8192xi32>
    %jit3A_378 = arith.constant 0x7F800000 : f32
    %broadcast_in_dim3A_379 = vector.broadcast %jit3A_378 : f32 to vector<128x8192xf32>
    %select_n3A_380 = arith.select %eq3A_377, %broadcast_in_dim3A_379, %get3A_345 : vector<128x8192xi1>, vector<128x8192xf32>
    %swap3A_381 = arith.constant 0 : index
    %swap3A_382 = arith.constant 0 : index
    %swap3A_383 = vector.load %arg7[%swap3A_381, %swap3A_382] : memref<128x8192xf32, #tpu.memory_space<vmem>>, vector<128x8192xf32>
    tpu.vector_store %arg7[%swap3A_381, %swap3A_382], %select_n3A_380 {strides = array<i32>} : memref<128x8192xf32, #tpu.memory_space<vmem>>, vector<128x8192xf32>,
    %get3A_384 = arith.constant 0 : index
    %get3A_385 = arith.constant 0 : index
    %get3A_386 = vector.load %arg7[%get3A_384, %get3A_385] : memref<128x8192xf32, #tpu.memory_space<vmem>>, vector<128x8192xf32>
    %reduce_min3A_387 = arith.constant dense<0x7F800000> : vector<128xf32>
    %reduce_min3A_388 = vector.multi_reduction <minimumf>, %get3A_386, %reduce_min3A_387 [1] : vector<128x8192xf32> to vector<128xf32>
    %broadcast_in_dim3A_389 = vector.shape_cast %reduce_min3A_388 : vector<128xf32> to vector<128x1xf32>
    %eq3A_390 = vector.broadcast %broadcast_in_dim3A_389 : vector<128x1xf32> to vector<128x8192xf32>
    %eq3A_391 = arith.cmpf oeq, %get3A_386, %eq3A_390 : vector<128x8192xf32>
    %jit3A_392 = arith.constant 8192 : i32
    %broadcast_in_dim3A_393 = vector.shape_cast %iota3A : vector<1x8192xi32> to vector<1x8192xi32>
    %broadcast_in_dim3A_394 = vector.broadcast %broadcast_in_dim3A_393 : vector<1x8192xi32> to vector<128x8192xi32>
    %broadcast_in_dim3A_395 = vector.broadcast %jit3A_392 : i32 to vector<128x8192xi32>
    %select_n3A_396 = arith.select %eq3A_391, %broadcast_in_dim3A_394, %broadcast_in_dim3A_395 : vector<128x8192xi1>, vector<128x8192xi32>
    %reduce_min3A_397 = arith.constant dense<2147483647> : vector<128xi32>
    %reduce_min3A_398 = vector.multi_reduction <minsi>, %select_n3A_396, %reduce_min3A_397 [1] : vector<128x8192xi32> to vector<128xi32>
    %broadcast_in_dim3A_399 = vector.shape_cast %reduce_min3A_398 : vector<128xi32> to vector<128x1xi32>
    %swap3A_400 = arith.constant 0 : index
    %swap3A_401 = arith.constant 0 : index
    %swap3A_402 = arith.constant 8 : index
    %swap3A_403 = vector.load %arg5[%swap3A_400, %swap3A_401, %swap3A_402] : memref<1x128x32xi32, #tpu.memory_space<vmem>>, vector<1x128x1xi32>
    %swap3A_404 = vector.shape_cast %swap3A_403 : vector<1x128x1xi32> to vector<128x1xi32>
    %swap3A_405 = vector.shape_cast %broadcast_in_dim3A_399 : vector<128x1xi32> to vector<1x128x1xi32>
    tpu.vector_store %arg5[%swap3A_400, %swap3A_401, %swap3A_402], %swap3A_405 {strides = array<i32>} : memref<1x128x32xi32, #tpu.memory_space<vmem>>, vector<1x128x1xi32>,
    %mul3A_406 = arith.constant 8192 : i32
    %mul3A_407 = arith.muli %arg0, %mul3A_406 : i32
    %add3A_408 = vector.broadcast %mul3A_407 : i32 to vector<128x1xi32>
    %add3A_409 = arith.addi %broadcast_in_dim3A_399, %add3A_408 : vector<128x1xi32>
    %swap3A_410 = arith.constant 0 : index
    %swap3A_411 = arith.constant 0 : index
    %swap3A_412 = arith.constant 8 : index
    %swap3A_413 = vector.load %arg6[%swap3A_410, %swap3A_411, %swap3A_412] : memref<1x128x32xi32, #tpu.memory_space<vmem>>, vector<1x128x1xi32>
    %swap3A_414 = vector.shape_cast %swap3A_413 : vector<1x128x1xi32> to vector<128x1xi32>
    %swap3A_415 = vector.shape_cast %add3A_409 : vector<128x1xi32> to vector<1x128x1xi32>
    tpu.vector_store %arg6[%swap3A_410, %swap3A_411, %swap3A_412], %swap3A_415 {strides = array<i32>} : memref<1x128x32xi32, #tpu.memory_space<vmem>>, vector<1x128x1xi32>,
    %eq3A_416 = vector.broadcast %iota3A : vector<1x8192xi32> to vector<128x8192xi32>
    %eq3A_417 = vector.broadcast %broadcast_in_dim3A_399 : vector<128x1xi32> to vector<128x8192xi32>
    %eq3A_418 = arith.cmpi eq, %eq3A_416, %eq3A_417 : vector<128x8192xi32>
    %jit3A_419 = arith.constant 0x7F800000 : f32
    %broadcast_in_dim3A_420 = vector.broadcast %jit3A_419 : f32 to vector<128x8192xf32>
    %select_n3A_421 = arith.select %eq3A_418, %broadcast_in_dim3A_420, %get3A_386 : vector<128x8192xi1>, vector<128x8192xf32>
    %swap3A_422 = arith.constant 0 : index
    %swap3A_423 = arith.constant 0 : index
    %swap3A_424 = vector.load %arg7[%swap3A_422, %swap3A_423] : memref<128x8192xf32, #tpu.memory_space<vmem>>, vector<128x8192xf32>
    tpu.vector_store %arg7[%swap3A_422, %swap3A_423], %select_n3A_421 {strides = array<i32>} : memref<128x8192xf32, #tpu.memory_space<vmem>>, vector<128x8192xf32>,
    %get3A_425 = arith.constant 0 : index
    %get3A_426 = arith.constant 0 : index
    %get3A_427 = vector.load %arg7[%get3A_425, %get3A_426] : memref<128x8192xf32, #tpu.memory_space<vmem>>, vector<128x8192xf32>
    %reduce_min3A_428 = arith.constant dense<0x7F800000> : vector<128xf32>
    %reduce_min3A_429 = vector.multi_reduction <minimumf>, %get3A_427, %reduce_min3A_428 [1] : vector<128x8192xf32> to vector<128xf32>
    %broadcast_in_dim3A_430 = vector.shape_cast %reduce_min3A_429 : vector<128xf32> to vector<128x1xf32>
    %eq3A_431 = vector.broadcast %broadcast_in_dim3A_430 : vector<128x1xf32> to vector<128x8192xf32>
    %eq3A_432 = arith.cmpf oeq, %get3A_427, %eq3A_431 : vector<128x8192xf32>
    %jit3A_433 = arith.constant 8192 : i32
    %broadcast_in_dim3A_434 = vector.shape_cast %iota3A : vector<1x8192xi32> to vector<1x8192xi32>
    %broadcast_in_dim3A_435 = vector.broadcast %broadcast_in_dim3A_434 : vector<1x8192xi32> to vector<128x8192xi32>
    %broadcast_in_dim3A_436 = vector.broadcast %jit3A_433 : i32 to vector<128x8192xi32>
    %select_n3A_437 = arith.select %eq3A_432, %broadcast_in_dim3A_435, %broadcast_in_dim3A_436 : vector<128x8192xi1>, vector<128x8192xi32>
    %reduce_min3A_438 = arith.constant dense<2147483647> : vector<128xi32>
    %reduce_min3A_439 = vector.multi_reduction <minsi>, %select_n3A_437, %reduce_min3A_438 [1] : vector<128x8192xi32> to vector<128xi32>
    %broadcast_in_dim3A_440 = vector.shape_cast %reduce_min3A_439 : vector<128xi32> to vector<128x1xi32>
    %swap3A_441 = arith.constant 0 : index
    %swap3A_442 = arith.constant 0 : index
    %swap3A_443 = arith.constant 9 : index
    %swap3A_444 = vector.load %arg5[%swap3A_441, %swap3A_442, %swap3A_443] : memref<1x128x32xi32, #tpu.memory_space<vmem>>, vector<1x128x1xi32>
    %swap3A_445 = vector.shape_cast %swap3A_444 : vector<1x128x1xi32> to vector<128x1xi32>
    %swap3A_446 = vector.shape_cast %broadcast_in_dim3A_440 : vector<128x1xi32> to vector<1x128x1xi32>
    tpu.vector_store %arg5[%swap3A_441, %swap3A_442, %swap3A_443], %swap3A_446 {strides = array<i32>} : memref<1x128x32xi32, #tpu.memory_space<vmem>>, vector<1x128x1xi32>,
    %mul3A_447 = arith.constant 8192 : i32
    %mul3A_448 = arith.muli %arg0, %mul3A_447 : i32
    %add3A_449 = vector.broadcast %mul3A_448 : i32 to vector<128x1xi32>
    %add3A_450 = arith.addi %broadcast_in_dim3A_440, %add3A_449 : vector<128x1xi32>
    %swap3A_451 = arith.constant 0 : index
    %swap3A_452 = arith.constant 0 : index
    %swap3A_453 = arith.constant 9 : index
    %swap3A_454 = vector.load %arg6[%swap3A_451, %swap3A_452, %swap3A_453] : memref<1x128x32xi32, #tpu.memory_space<vmem>>, vector<1x128x1xi32>
    %swap3A_455 = vector.shape_cast %swap3A_454 : vector<1x128x1xi32> to vector<128x1xi32>
    %swap3A_456 = vector.shape_cast %add3A_450 : vector<128x1xi32> to vector<1x128x1xi32>
    tpu.vector_store %arg6[%swap3A_451, %swap3A_452, %swap3A_453], %swap3A_456 {strides = array<i32>} : memref<1x128x32xi32, #tpu.memory_space<vmem>>, vector<1x128x1xi32>,
    %eq3A_457 = vector.broadcast %iota3A : vector<1x8192xi32> to vector<128x8192xi32>
    %eq3A_458 = vector.broadcast %broadcast_in_dim3A_440 : vector<128x1xi32> to vector<128x8192xi32>
    %eq3A_459 = arith.cmpi eq, %eq3A_457, %eq3A_458 : vector<128x8192xi32>
    %jit3A_460 = arith.constant 0x7F800000 : f32
    %broadcast_in_dim3A_461 = vector.broadcast %jit3A_460 : f32 to vector<128x8192xf32>
    %select_n3A_462 = arith.select %eq3A_459, %broadcast_in_dim3A_461, %get3A_427 : vector<128x8192xi1>, vector<128x8192xf32>
    %swap3A_463 = arith.constant 0 : index
    %swap3A_464 = arith.constant 0 : index
    %swap3A_465 = vector.load %arg7[%swap3A_463, %swap3A_464] : memref<128x8192xf32, #tpu.memory_space<vmem>>, vector<128x8192xf32>
    tpu.vector_store %arg7[%swap3A_463, %swap3A_464], %select_n3A_462 {strides = array<i32>} : memref<128x8192xf32, #tpu.memory_space<vmem>>, vector<128x8192xf32>,
    %get3A_466 = arith.constant 0 : index
    %get3A_467 = arith.constant 0 : index
    %get3A_468 = vector.load %arg7[%get3A_466, %get3A_467] : memref<128x8192xf32, #tpu.memory_space<vmem>>, vector<128x8192xf32>
    %reduce_min3A_469 = arith.constant dense<0x7F800000> : vector<128xf32>
    %reduce_min3A_470 = vector.multi_reduction <minimumf>, %get3A_468, %reduce_min3A_469 [1] : vector<128x8192xf32> to vector<128xf32>
    %broadcast_in_dim3A_471 = vector.shape_cast %reduce_min3A_470 : vector<128xf32> to vector<128x1xf32>
    %eq3A_472 = vector.broadcast %broadcast_in_dim3A_471 : vector<128x1xf32> to vector<128x8192xf32>
    %eq3A_473 = arith.cmpf oeq, %get3A_468, %eq3A_472 : vector<128x8192xf32>
    %jit3A_474 = arith.constant 8192 : i32
    %broadcast_in_dim3A_475 = vector.shape_cast %iota3A : vector<1x8192xi32> to vector<1x8192xi32>
    %broadcast_in_dim3A_476 = vector.broadcast %broadcast_in_dim3A_475 : vector<1x8192xi32> to vector<128x8192xi32>
    %broadcast_in_dim3A_477 = vector.broadcast %jit3A_474 : i32 to vector<128x8192xi32>
    %select_n3A_478 = arith.select %eq3A_473, %broadcast_in_dim3A_476, %broadcast_in_dim3A_477 : vector<128x8192xi1>, vector<128x8192xi32>
    %reduce_min3A_479 = arith.constant dense<2147483647> : vector<128xi32>
    %reduce_min3A_480 = vector.multi_reduction <minsi>, %select_n3A_478, %reduce_min3A_479 [1] : vector<128x8192xi32> to vector<128xi32>
    %broadcast_in_dim3A_481 = vector.shape_cast %reduce_min3A_480 : vector<128xi32> to vector<128x1xi32>
    %swap3A_482 = arith.constant 0 : index
    %swap3A_483 = arith.constant 0 : index
    %swap3A_484 = arith.constant 10 : index
    %swap3A_485 = vector.load %arg5[%swap3A_482, %swap3A_483, %swap3A_484] : memref<1x128x32xi32, #tpu.memory_space<vmem>>, vector<1x128x1xi32>
    %swap3A_486 = vector.shape_cast %swap3A_485 : vector<1x128x1xi32> to vector<128x1xi32>
    %swap3A_487 = vector.shape_cast %broadcast_in_dim3A_481 : vector<128x1xi32> to vector<1x128x1xi32>
    tpu.vector_store %arg5[%swap3A_482, %swap3A_483, %swap3A_484], %swap3A_487 {strides = array<i32>} : memref<1x128x32xi32, #tpu.memory_space<vmem>>, vector<1x128x1xi32>,
    %mul3A_488 = arith.constant 8192 : i32
    %mul3A_489 = arith.muli %arg0, %mul3A_488 : i32
    %add3A_490 = vector.broadcast %mul3A_489 : i32 to vector<128x1xi32>
    %add3A_491 = arith.addi %broadcast_in_dim3A_481, %add3A_490 : vector<128x1xi32>
    %swap3A_492 = arith.constant 0 : index
    %swap3A_493 = arith.constant 0 : index
    %swap3A_494 = arith.constant 10 : index
    %swap3A_495 = vector.load %arg6[%swap3A_492, %swap3A_493, %swap3A_494] : memref<1x128x32xi32, #tpu.memory_space<vmem>>, vector<1x128x1xi32>
    %swap3A_496 = vector.shape_cast %swap3A_495 : vector<1x128x1xi32> to vector<128x1xi32>
    %swap3A_497 = vector.shape_cast %add3A_491 : vector<128x1xi32> to vector<1x128x1xi32>
    tpu.vector_store %arg6[%swap3A_492, %swap3A_493, %swap3A_494], %swap3A_497 {strides = array<i32>} : memref<1x128x32xi32, #tpu.memory_space<vmem>>, vector<1x128x1xi32>,
    %eq3A_498 = vector.broadcast %iota3A : vector<1x8192xi32> to vector<128x8192xi32>
    %eq3A_499 = vector.broadcast %broadcast_in_dim3A_481 : vector<128x1xi32> to vector<128x8192xi32>
    %eq3A_500 = arith.cmpi eq, %eq3A_498, %eq3A_499 : vector<128x8192xi32>
    %jit3A_501 = arith.constant 0x7F800000 : f32
    %broadcast_in_dim3A_502 = vector.broadcast %jit3A_501 : f32 to vector<128x8192xf32>
    %select_n3A_503 = arith.select %eq3A_500, %broadcast_in_dim3A_502, %get3A_468 : vector<128x8192xi1>, vector<128x8192xf32>
    %swap3A_504 = arith.constant 0 : index
    %swap3A_505 = arith.constant 0 : index
    %swap3A_506 = vector.load %arg7[%swap3A_504, %swap3A_505] : memref<128x8192xf32, #tpu.memory_space<vmem>>, vector<128x8192xf32>
    tpu.vector_store %arg7[%swap3A_504, %swap3A_505], %select_n3A_503 {strides = array<i32>} : memref<128x8192xf32, #tpu.memory_space<vmem>>, vector<128x8192xf32>,
    %get3A_507 = arith.constant 0 : index
    %get3A_508 = arith.constant 0 : index
    %get3A_509 = vector.load %arg7[%get3A_507, %get3A_508] : memref<128x8192xf32, #tpu.memory_space<vmem>>, vector<128x8192xf32>
    %reduce_min3A_510 = arith.constant dense<0x7F800000> : vector<128xf32>
    %reduce_min3A_511 = vector.multi_reduction <minimumf>, %get3A_509, %reduce_min3A_510 [1] : vector<128x8192xf32> to vector<128xf32>
    %broadcast_in_dim3A_512 = vector.shape_cast %reduce_min3A_511 : vector<128xf32> to vector<128x1xf32>
    %eq3A_513 = vector.broadcast %broadcast_in_dim3A_512 : vector<128x1xf32> to vector<128x8192xf32>
    %eq3A_514 = arith.cmpf oeq, %get3A_509, %eq3A_513 : vector<128x8192xf32>
    %jit3A_515 = arith.constant 8192 : i32
    %broadcast_in_dim3A_516 = vector.shape_cast %iota3A : vector<1x8192xi32> to vector<1x8192xi32>
    %broadcast_in_dim3A_517 = vector.broadcast %broadcast_in_dim3A_516 : vector<1x8192xi32> to vector<128x8192xi32>
    %broadcast_in_dim3A_518 = vector.broadcast %jit3A_515 : i32 to vector<128x8192xi32>
    %select_n3A_519 = arith.select %eq3A_514, %broadcast_in_dim3A_517, %broadcast_in_dim3A_518 : vector<128x8192xi1>, vector<128x8192xi32>
    %reduce_min3A_520 = arith.constant dense<2147483647> : vector<128xi32>
    %reduce_min3A_521 = vector.multi_reduction <minsi>, %select_n3A_519, %reduce_min3A_520 [1] : vector<128x8192xi32> to vector<128xi32>
    %broadcast_in_dim3A_522 = vector.shape_cast %reduce_min3A_521 : vector<128xi32> to vector<128x1xi32>
    %swap3A_523 = arith.constant 0 : index
    %swap3A_524 = arith.constant 0 : index
    %swap3A_525 = arith.constant 11 : index
    %swap3A_526 = vector.load %arg5[%swap3A_523, %swap3A_524, %swap3A_525] : memref<1x128x32xi32, #tpu.memory_space<vmem>>, vector<1x128x1xi32>
    %swap3A_527 = vector.shape_cast %swap3A_526 : vector<1x128x1xi32> to vector<128x1xi32>
    %swap3A_528 = vector.shape_cast %broadcast_in_dim3A_522 : vector<128x1xi32> to vector<1x128x1xi32>
    tpu.vector_store %arg5[%swap3A_523, %swap3A_524, %swap3A_525], %swap3A_528 {strides = array<i32>} : memref<1x128x32xi32, #tpu.memory_space<vmem>>, vector<1x128x1xi32>,
    %mul3A_529 = arith.constant 8192 : i32
    %mul3A_530 = arith.muli %arg0, %mul3A_529 : i32
    %add3A_531 = vector.broadcast %mul3A_530 : i32 to vector<128x1xi32>
    %add3A_532 = arith.addi %broadcast_in_dim3A_522, %add3A_531 : vector<128x1xi32>
    %swap3A_533 = arith.constant 0 : index
    %swap3A_534 = arith.constant 0 : index
    %swap3A_535 = arith.constant 11 : index
    %swap3A_536 = vector.load %arg6[%swap3A_533, %swap3A_534, %swap3A_535] : memref<1x128x32xi32, #tpu.memory_space<vmem>>, vector<1x128x1xi32>
    %swap3A_537 = vector.shape_cast %swap3A_536 : vector<1x128x1xi32> to vector<128x1xi32>
    %swap3A_538 = vector.shape_cast %add3A_532 : vector<128x1xi32> to vector<1x128x1xi32>
    tpu.vector_store %arg6[%swap3A_533, %swap3A_534, %swap3A_535], %swap3A_538 {strides = array<i32>} : memref<1x128x32xi32, #tpu.memory_space<vmem>>, vector<1x128x1xi32>,
    %eq3A_539 = vector.broadcast %iota3A : vector<1x8192xi32> to vector<128x8192xi32>
    %eq3A_540 = vector.broadcast %broadcast_in_dim3A_522 : vector<128x1xi32> to vector<128x8192xi32>
    %eq3A_541 = arith.cmpi eq, %eq3A_539, %eq3A_540 : vector<128x8192xi32>
    %jit3A_542 = arith.constant 0x7F800000 : f32
    %broadcast_in_dim3A_543 = vector.broadcast %jit3A_542 : f32 to vector<128x8192xf32>
    %select_n3A_544 = arith.select %eq3A_541, %broadcast_in_dim3A_543, %get3A_509 : vector<128x8192xi1>, vector<128x8192xf32>
    %swap3A_545 = arith.constant 0 : index
    %swap3A_546 = arith.constant 0 : index
    %swap3A_547 = vector.load %arg7[%swap3A_545, %swap3A_546] : memref<128x8192xf32, #tpu.memory_space<vmem>>, vector<128x8192xf32>
    tpu.vector_store %arg7[%swap3A_545, %swap3A_546], %select_n3A_544 {strides = array<i32>} : memref<128x8192xf32, #tpu.memory_space<vmem>>, vector<128x8192xf32>,
    %get3A_548 = arith.constant 0 : index
    %get3A_549 = arith.constant 0 : index
    %get3A_550 = vector.load %arg7[%get3A_548, %get3A_549] : memref<128x8192xf32, #tpu.memory_space<vmem>>, vector<128x8192xf32>
    %reduce_min3A_551 = arith.constant dense<0x7F800000> : vector<128xf32>
    %reduce_min3A_552 = vector.multi_reduction <minimumf>, %get3A_550, %reduce_min3A_551 [1] : vector<128x8192xf32> to vector<128xf32>
    %broadcast_in_dim3A_553 = vector.shape_cast %reduce_min3A_552 : vector<128xf32> to vector<128x1xf32>
    %eq3A_554 = vector.broadcast %broadcast_in_dim3A_553 : vector<128x1xf32> to vector<128x8192xf32>
    %eq3A_555 = arith.cmpf oeq, %get3A_550, %eq3A_554 : vector<128x8192xf32>
    %jit3A_556 = arith.constant 8192 : i32
    %broadcast_in_dim3A_557 = vector.shape_cast %iota3A : vector<1x8192xi32> to vector<1x8192xi32>
    %broadcast_in_dim3A_558 = vector.broadcast %broadcast_in_dim3A_557 : vector<1x8192xi32> to vector<128x8192xi32>
    %broadcast_in_dim3A_559 = vector.broadcast %jit3A_556 : i32 to vector<128x8192xi32>
    %select_n3A_560 = arith.select %eq3A_555, %broadcast_in_dim3A_558, %broadcast_in_dim3A_559 : vector<128x8192xi1>, vector<128x8192xi32>
    %reduce_min3A_561 = arith.constant dense<2147483647> : vector<128xi32>
    %reduce_min3A_562 = vector.multi_reduction <minsi>, %select_n3A_560, %reduce_min3A_561 [1] : vector<128x8192xi32> to vector<128xi32>
    %broadcast_in_dim3A_563 = vector.shape_cast %reduce_min3A_562 : vector<128xi32> to vector<128x1xi32>
    %swap3A_564 = arith.constant 0 : index
    %swap3A_565 = arith.constant 0 : index
    %swap3A_566 = arith.constant 12 : index
    %swap3A_567 = vector.load %arg5[%swap3A_564, %swap3A_565, %swap3A_566] : memref<1x128x32xi32, #tpu.memory_space<vmem>>, vector<1x128x1xi32>
    %swap3A_568 = vector.shape_cast %swap3A_567 : vector<1x128x1xi32> to vector<128x1xi32>
    %swap3A_569 = vector.shape_cast %broadcast_in_dim3A_563 : vector<128x1xi32> to vector<1x128x1xi32>
    tpu.vector_store %arg5[%swap3A_564, %swap3A_565, %swap3A_566], %swap3A_569 {strides = array<i32>} : memref<1x128x32xi32, #tpu.memory_space<vmem>>, vector<1x128x1xi32>,
    %mul3A_570 = arith.constant 8192 : i32
    %mul3A_571 = arith.muli %arg0, %mul3A_570 : i32
    %add3A_572 = vector.broadcast %mul3A_571 : i32 to vector<128x1xi32>
    %add3A_573 = arith.addi %broadcast_in_dim3A_563, %add3A_572 : vector<128x1xi32>
    %swap3A_574 = arith.constant 0 : index
    %swap3A_575 = arith.constant 0 : index
    %swap3A_576 = arith.constant 12 : index
    %swap3A_577 = vector.load %arg6[%swap3A_574, %swap3A_575, %swap3A_576] : memref<1x128x32xi32, #tpu.memory_space<vmem>>, vector<1x128x1xi32>
    %swap3A_578 = vector.shape_cast %swap3A_577 : vector<1x128x1xi32> to vector<128x1xi32>
    %swap3A_579 = vector.shape_cast %add3A_573 : vector<128x1xi32> to vector<1x128x1xi32>
    tpu.vector_store %arg6[%swap3A_574, %swap3A_575, %swap3A_576], %swap3A_579 {strides = array<i32>} : memref<1x128x32xi32, #tpu.memory_space<vmem>>, vector<1x128x1xi32>,
    %eq3A_580 = vector.broadcast %iota3A : vector<1x8192xi32> to vector<128x8192xi32>
    %eq3A_581 = vector.broadcast %broadcast_in_dim3A_563 : vector<128x1xi32> to vector<128x8192xi32>
    %eq3A_582 = arith.cmpi eq, %eq3A_580, %eq3A_581 : vector<128x8192xi32>
    %jit3A_583 = arith.constant 0x7F800000 : f32
    %broadcast_in_dim3A_584 = vector.broadcast %jit3A_583 : f32 to vector<128x8192xf32>
    %select_n3A_585 = arith.select %eq3A_582, %broadcast_in_dim3A_584, %get3A_550 : vector<128x8192xi1>, vector<128x8192xf32>
    %swap3A_586 = arith.constant 0 : index
    %swap3A_587 = arith.constant 0 : index
    %swap3A_588 = vector.load %arg7[%swap3A_586, %swap3A_587] : memref<128x8192xf32, #tpu.memory_space<vmem>>, vector<128x8192xf32>
    tpu.vector_store %arg7[%swap3A_586, %swap3A_587], %select_n3A_585 {strides = array<i32>} : memref<128x8192xf32, #tpu.memory_space<vmem>>, vector<128x8192xf32>,
    %get3A_589 = arith.constant 0 : index
    %get3A_590 = arith.constant 0 : index
    %get3A_591 = vector.load %arg7[%get3A_589, %get3A_590] : memref<128x8192xf32, #tpu.memory_space<vmem>>, vector<128x8192xf32>
    %reduce_min3A_592 = arith.constant dense<0x7F800000> : vector<128xf32>
    %reduce_min3A_593 = vector.multi_reduction <minimumf>, %get3A_591, %reduce_min3A_592 [1] : vector<128x8192xf32> to vector<128xf32>
    %broadcast_in_dim3A_594 = vector.shape_cast %reduce_min3A_593 : vector<128xf32> to vector<128x1xf32>
    %eq3A_595 = vector.broadcast %broadcast_in_dim3A_594 : vector<128x1xf32> to vector<128x8192xf32>
    %eq3A_596 = arith.cmpf oeq, %get3A_591, %eq3A_595 : vector<128x8192xf32>
    %jit3A_597 = arith.constant 8192 : i32
    %broadcast_in_dim3A_598 = vector.shape_cast %iota3A : vector<1x8192xi32> to vector<1x8192xi32>
    %broadcast_in_dim3A_599 = vector.broadcast %broadcast_in_dim3A_598 : vector<1x8192xi32> to vector<128x8192xi32>
    %broadcast_in_dim3A_600 = vector.broadcast %jit3A_597 : i32 to vector<128x8192xi32>
    %select_n3A_601 = arith.select %eq3A_596, %broadcast_in_dim3A_599, %broadcast_in_dim3A_600 : vector<128x8192xi1>, vector<128x8192xi32>
    %reduce_min3A_602 = arith.constant dense<2147483647> : vector<128xi32>
    %reduce_min3A_603 = vector.multi_reduction <minsi>, %select_n3A_601, %reduce_min3A_602 [1] : vector<128x8192xi32> to vector<128xi32>
    %broadcast_in_dim3A_604 = vector.shape_cast %reduce_min3A_603 : vector<128xi32> to vector<128x1xi32>
    %swap3A_605 = arith.constant 0 : index
    %swap3A_606 = arith.constant 0 : index
    %swap3A_607 = arith.constant 13 : index
    %swap3A_608 = vector.load %arg5[%swap3A_605, %swap3A_606, %swap3A_607] : memref<1x128x32xi32, #tpu.memory_space<vmem>>, vector<1x128x1xi32>
    %swap3A_609 = vector.shape_cast %swap3A_608 : vector<1x128x1xi32> to vector<128x1xi32>
    %swap3A_610 = vector.shape_cast %broadcast_in_dim3A_604 : vector<128x1xi32> to vector<1x128x1xi32>
    tpu.vector_store %arg5[%swap3A_605, %swap3A_606, %swap3A_607], %swap3A_610 {strides = array<i32>} : memref<1x128x32xi32, #tpu.memory_space<vmem>>, vector<1x128x1xi32>,
    %mul3A_611 = arith.constant 8192 : i32
    %mul3A_612 = arith.muli %arg0, %mul3A_611 : i32
    %add3A_613 = vector.broadcast %mul3A_612 : i32 to vector<128x1xi32>
    %add3A_614 = arith.addi %broadcast_in_dim3A_604, %add3A_613 : vector<128x1xi32>
    %swap3A_615 = arith.constant 0 : index
    %swap3A_616 = arith.constant 0 : index
    %swap3A_617 = arith.constant 13 : index
    %swap3A_618 = vector.load %arg6[%swap3A_615, %swap3A_616, %swap3A_617] : memref<1x128x32xi32, #tpu.memory_space<vmem>>, vector<1x128x1xi32>
    %swap3A_619 = vector.shape_cast %swap3A_618 : vector<1x128x1xi32> to vector<128x1xi32>
    %swap3A_620 = vector.shape_cast %add3A_614 : vector<128x1xi32> to vector<1x128x1xi32>
    tpu.vector_store %arg6[%swap3A_615, %swap3A_616, %swap3A_617], %swap3A_620 {strides = array<i32>} : memref<1x128x32xi32, #tpu.memory_space<vmem>>, vector<1x128x1xi32>,
    %eq3A_621 = vector.broadcast %iota3A : vector<1x8192xi32> to vector<128x8192xi32>
    %eq3A_622 = vector.broadcast %broadcast_in_dim3A_604 : vector<128x1xi32> to vector<128x8192xi32>
    %eq3A_623 = arith.cmpi eq, %eq3A_621, %eq3A_622 : vector<128x8192xi32>
    %jit3A_624 = arith.constant 0x7F800000 : f32
    %broadcast_in_dim3A_625 = vector.broadcast %jit3A_624 : f32 to vector<128x8192xf32>
    %select_n3A_626 = arith.select %eq3A_623, %broadcast_in_dim3A_625, %get3A_591 : vector<128x8192xi1>, vector<128x8192xf32>
    %swap3A_627 = arith.constant 0 : index
    %swap3A_628 = arith.constant 0 : index
    %swap3A_629 = vector.load %arg7[%swap3A_627, %swap3A_628] : memref<128x8192xf32, #tpu.memory_space<vmem>>, vector<128x8192xf32>
    tpu.vector_store %arg7[%swap3A_627, %swap3A_628], %select_n3A_626 {strides = array<i32>} : memref<128x8192xf32, #tpu.memory_space<vmem>>, vector<128x8192xf32>,
    %get3A_630 = arith.constant 0 : index
    %get3A_631 = arith.constant 0 : index
    %get3A_632 = vector.load %arg7[%get3A_630, %get3A_631] : memref<128x8192xf32, #tpu.memory_space<vmem>>, vector<128x8192xf32>
    %reduce_min3A_633 = arith.constant dense<0x7F800000> : vector<128xf32>
    %reduce_min3A_634 = vector.multi_reduction <minimumf>, %get3A_632, %reduce_min3A_633 [1] : vector<128x8192xf32> to vector<128xf32>
    %broadcast_in_dim3A_635 = vector.shape_cast %reduce_min3A_634 : vector<128xf32> to vector<128x1xf32>
    %eq3A_636 = vector.broadcast %broadcast_in_dim3A_635 : vector<128x1xf32> to vector<128x8192xf32>
    %eq3A_637 = arith.cmpf oeq, %get3A_632, %eq3A_636 : vector<128x8192xf32>
    %jit3A_638 = arith.constant 8192 : i32
    %broadcast_in_dim3A_639 = vector.shape_cast %iota3A : vector<1x8192xi32> to vector<1x8192xi32>
    %broadcast_in_dim3A_640 = vector.broadcast %broadcast_in_dim3A_639 : vector<1x8192xi32> to vector<128x8192xi32>
    %broadcast_in_dim3A_641 = vector.broadcast %jit3A_638 : i32 to vector<128x8192xi32>
    %select_n3A_642 = arith.select %eq3A_637, %broadcast_in_dim3A_640, %broadcast_in_dim3A_641 : vector<128x8192xi1>, vector<128x8192xi32>
    %reduce_min3A_643 = arith.constant dense<2147483647> : vector<128xi32>
    %reduce_min3A_644 = vector.multi_reduction <minsi>, %select_n3A_642, %reduce_min3A_643 [1] : vector<128x8192xi32> to vector<128xi32>
    %broadcast_in_dim3A_645 = vector.shape_cast %reduce_min3A_644 : vector<128xi32> to vector<128x1xi32>
    %swap3A_646 = arith.constant 0 : index
    %swap3A_647 = arith.constant 0 : index
    %swap3A_648 = arith.constant 14 : index
    %swap3A_649 = vector.load %arg5[%swap3A_646, %swap3A_647, %swap3A_648] : memref<1x128x32xi32, #tpu.memory_space<vmem>>, vector<1x128x1xi32>
    %swap3A_650 = vector.shape_cast %swap3A_649 : vector<1x128x1xi32> to vector<128x1xi32>
    %swap3A_651 = vector.shape_cast %broadcast_in_dim3A_645 : vector<128x1xi32> to vector<1x128x1xi32>
    tpu.vector_store %arg5[%swap3A_646, %swap3A_647, %swap3A_648], %swap3A_651 {strides = array<i32>} : memref<1x128x32xi32, #tpu.memory_space<vmem>>, vector<1x128x1xi32>,
    %mul3A_652 = arith.constant 8192 : i32
    %mul3A_653 = arith.muli %arg0, %mul3A_652 : i32
    %add3A_654 = vector.broadcast %mul3A_653 : i32 to vector<128x1xi32>
    %add3A_655 = arith.addi %broadcast_in_dim3A_645, %add3A_654 : vector<128x1xi32>
    %swap3A_656 = arith.constant 0 : index
    %swap3A_657 = arith.constant 0 : index
    %swap3A_658 = arith.constant 14 : index
    %swap3A_659 = vector.load %arg6[%swap3A_656, %swap3A_657, %swap3A_658] : memref<1x128x32xi32, #tpu.memory_space<vmem>>, vector<1x128x1xi32>
    %swap3A_660 = vector.shape_cast %swap3A_659 : vector<1x128x1xi32> to vector<128x1xi32>
    %swap3A_661 = vector.shape_cast %add3A_655 : vector<128x1xi32> to vector<1x128x1xi32>
    tpu.vector_store %arg6[%swap3A_656, %swap3A_657, %swap3A_658], %swap3A_661 {strides = array<i32>} : memref<1x128x32xi32, #tpu.memory_space<vmem>>, vector<1x128x1xi32>,
    %eq3A_662 = vector.broadcast %iota3A : vector<1x8192xi32> to vector<128x8192xi32>
    %eq3A_663 = vector.broadcast %broadcast_in_dim3A_645 : vector<128x1xi32> to vector<128x8192xi32>
    %eq3A_664 = arith.cmpi eq, %eq3A_662, %eq3A_663 : vector<128x8192xi32>
    %jit3A_665 = arith.constant 0x7F800000 : f32
    %broadcast_in_dim3A_666 = vector.broadcast %jit3A_665 : f32 to vector<128x8192xf32>
    %select_n3A_667 = arith.select %eq3A_664, %broadcast_in_dim3A_666, %get3A_632 : vector<128x8192xi1>, vector<128x8192xf32>
    %swap3A_668 = arith.constant 0 : index
    %swap3A_669 = arith.constant 0 : index
    %swap3A_670 = vector.load %arg7[%swap3A_668, %swap3A_669] : memref<128x8192xf32, #tpu.memory_space<vmem>>, vector<128x8192xf32>
    tpu.vector_store %arg7[%swap3A_668, %swap3A_669], %select_n3A_667 {strides = array<i32>} : memref<128x8192xf32, #tpu.memory_space<vmem>>, vector<128x8192xf32>,
    %get3A_671 = arith.constant 0 : index
    %get3A_672 = arith.constant 0 : index
    %get3A_673 = vector.load %arg7[%get3A_671, %get3A_672] : memref<128x8192xf32, #tpu.memory_space<vmem>>, vector<128x8192xf32>
    %reduce_min3A_674 = arith.constant dense<0x7F800000> : vector<128xf32>
    %reduce_min3A_675 = vector.multi_reduction <minimumf>, %get3A_673, %reduce_min3A_674 [1] : vector<128x8192xf32> to vector<128xf32>
    %broadcast_in_dim3A_676 = vector.shape_cast %reduce_min3A_675 : vector<128xf32> to vector<128x1xf32>
    %eq3A_677 = vector.broadcast %broadcast_in_dim3A_676 : vector<128x1xf32> to vector<128x8192xf32>
    %eq3A_678 = arith.cmpf oeq, %get3A_673, %eq3A_677 : vector<128x8192xf32>
    %jit3A_679 = arith.constant 8192 : i32
    %broadcast_in_dim3A_680 = vector.shape_cast %iota3A : vector<1x8192xi32> to vector<1x8192xi32>
    %broadcast_in_dim3A_681 = vector.broadcast %broadcast_in_dim3A_680 : vector<1x8192xi32> to vector<128x8192xi32>
    %broadcast_in_dim3A_682 = vector.broadcast %jit3A_679 : i32 to vector<128x8192xi32>
    %select_n3A_683 = arith.select %eq3A_678, %broadcast_in_dim3A_681, %broadcast_in_dim3A_682 : vector<128x8192xi1>, vector<128x8192xi32>
    %reduce_min3A_684 = arith.constant dense<2147483647> : vector<128xi32>
    %reduce_min3A_685 = vector.multi_reduction <minsi>, %select_n3A_683, %reduce_min3A_684 [1] : vector<128x8192xi32> to vector<128xi32>
    %broadcast_in_dim3A_686 = vector.shape_cast %reduce_min3A_685 : vector<128xi32> to vector<128x1xi32>
    %swap3A_687 = arith.constant 0 : index
    %swap3A_688 = arith.constant 0 : index
    %swap3A_689 = arith.constant 15 : index
    %swap3A_690 = vector.load %arg5[%swap3A_687, %swap3A_688, %swap3A_689] : memref<1x128x32xi32, #tpu.memory_space<vmem>>, vector<1x128x1xi32>
    %swap3A_691 = vector.shape_cast %swap3A_690 : vector<1x128x1xi32> to vector<128x1xi32>
    %swap3A_692 = vector.shape_cast %broadcast_in_dim3A_686 : vector<128x1xi32> to vector<1x128x1xi32>
    tpu.vector_store %arg5[%swap3A_687, %swap3A_688, %swap3A_689], %swap3A_692 {strides = array<i32>} : memref<1x128x32xi32, #tpu.memory_space<vmem>>, vector<1x128x1xi32>,
    %mul3A_693 = arith.constant 8192 : i32
    %mul3A_694 = arith.muli %arg0, %mul3A_693 : i32
    %add3A_695 = vector.broadcast %mul3A_694 : i32 to vector<128x1xi32>
    %add3A_696 = arith.addi %broadcast_in_dim3A_686, %add3A_695 : vector<128x1xi32>
    %swap3A_697 = arith.constant 0 : index
    %swap3A_698 = arith.constant 0 : index
    %swap3A_699 = arith.constant 15 : index
    %swap3A_700 = vector.load %arg6[%swap3A_697, %swap3A_698, %swap3A_699] : memref<1x128x32xi32, #tpu.memory_space<vmem>>, vector<1x128x1xi32>
    %swap3A_701 = vector.shape_cast %swap3A_700 : vector<1x128x1xi32> to vector<128x1xi32>
    %swap3A_702 = vector.shape_cast %add3A_696 : vector<128x1xi32> to vector<1x128x1xi32>
    tpu.vector_store %arg6[%swap3A_697, %swap3A_698, %swap3A_699], %swap3A_702 {strides = array<i32>} : memref<1x128x32xi32, #tpu.memory_space<vmem>>, vector<1x128x1xi32>,
    %eq3A_703 = vector.broadcast %iota3A : vector<1x8192xi32> to vector<128x8192xi32>
    %eq3A_704 = vector.broadcast %broadcast_in_dim3A_686 : vector<128x1xi32> to vector<128x8192xi32>
    %eq3A_705 = arith.cmpi eq, %eq3A_703, %eq3A_704 : vector<128x8192xi32>
    %jit3A_706 = arith.constant 0x7F800000 : f32
    %broadcast_in_dim3A_707 = vector.broadcast %jit3A_706 : f32 to vector<128x8192xf32>
    %select_n3A_708 = arith.select %eq3A_705, %broadcast_in_dim3A_707, %get3A_673 : vector<128x8192xi1>, vector<128x8192xf32>
    %swap3A_709 = arith.constant 0 : index
    %swap3A_710 = arith.constant 0 : index
    %swap3A_711 = vector.load %arg7[%swap3A_709, %swap3A_710] : memref<128x8192xf32, #tpu.memory_space<vmem>>, vector<128x8192xf32>
    tpu.vector_store %arg7[%swap3A_709, %swap3A_710], %select_n3A_708 {strides = array<i32>} : memref<128x8192xf32, #tpu.memory_space<vmem>>, vector<128x8192xf32>,
    %get3A_712 = arith.constant 0 : index
    %get3A_713 = arith.constant 0 : index
    %get3A_714 = vector.load %arg7[%get3A_712, %get3A_713] : memref<128x8192xf32, #tpu.memory_space<vmem>>, vector<128x8192xf32>
    %reduce_min3A_715 = arith.constant dense<0x7F800000> : vector<128xf32>
    %reduce_min3A_716 = vector.multi_reduction <minimumf>, %get3A_714, %reduce_min3A_715 [1] : vector<128x8192xf32> to vector<128xf32>
    %broadcast_in_dim3A_717 = vector.shape_cast %reduce_min3A_716 : vector<128xf32> to vector<128x1xf32>
    %eq3A_718 = vector.broadcast %broadcast_in_dim3A_717 : vector<128x1xf32> to vector<128x8192xf32>
    %eq3A_719 = arith.cmpf oeq, %get3A_714, %eq3A_718 : vector<128x8192xf32>
    %jit3A_720 = arith.constant 8192 : i32
    %broadcast_in_dim3A_721 = vector.shape_cast %iota3A : vector<1x8192xi32> to vector<1x8192xi32>
    %broadcast_in_dim3A_722 = vector.broadcast %broadcast_in_dim3A_721 : vector<1x8192xi32> to vector<128x8192xi32>
    %broadcast_in_dim3A_723 = vector.broadcast %jit3A_720 : i32 to vector<128x8192xi32>
    %select_n3A_724 = arith.select %eq3A_719, %broadcast_in_dim3A_722, %broadcast_in_dim3A_723 : vector<128x8192xi1>, vector<128x8192xi32>
    %reduce_min3A_725 = arith.constant dense<2147483647> : vector<128xi32>
    %reduce_min3A_726 = vector.multi_reduction <minsi>, %select_n3A_724, %reduce_min3A_725 [1] : vector<128x8192xi32> to vector<128xi32>
    %broadcast_in_dim3A_727 = vector.shape_cast %reduce_min3A_726 : vector<128xi32> to vector<128x1xi32>
    %swap3A_728 = arith.constant 0 : index
    %swap3A_729 = arith.constant 0 : index
    %swap3A_730 = arith.constant 16 : index
    %swap3A_731 = vector.load %arg5[%swap3A_728, %swap3A_729, %swap3A_730] : memref<1x128x32xi32, #tpu.memory_space<vmem>>, vector<1x128x1xi32>
    %swap3A_732 = vector.shape_cast %swap3A_731 : vector<1x128x1xi32> to vector<128x1xi32>
    %swap3A_733 = vector.shape_cast %broadcast_in_dim3A_727 : vector<128x1xi32> to vector<1x128x1xi32>
    tpu.vector_store %arg5[%swap3A_728, %swap3A_729, %swap3A_730], %swap3A_733 {strides = array<i32>} : memref<1x128x32xi32, #tpu.memory_space<vmem>>, vector<1x128x1xi32>,
    %mul3A_734 = arith.constant 8192 : i32
    %mul3A_735 = arith.muli %arg0, %mul3A_734 : i32
    %add3A_736 = vector.broadcast %mul3A_735 : i32 to vector<128x1xi32>
    %add3A_737 = arith.addi %broadcast_in_dim3A_727, %add3A_736 : vector<128x1xi32>
    %swap3A_738 = arith.constant 0 : index
    %swap3A_739 = arith.constant 0 : index
    %swap3A_740 = arith.constant 16 : index
    %swap3A_741 = vector.load %arg6[%swap3A_738, %swap3A_739, %swap3A_740] : memref<1x128x32xi32, #tpu.memory_space<vmem>>, vector<1x128x1xi32>
    %swap3A_742 = vector.shape_cast %swap3A_741 : vector<1x128x1xi32> to vector<128x1xi32>
    %swap3A_743 = vector.shape_cast %add3A_737 : vector<128x1xi32> to vector<1x128x1xi32>
    tpu.vector_store %arg6[%swap3A_738, %swap3A_739, %swap3A_740], %swap3A_743 {strides = array<i32>} : memref<1x128x32xi32, #tpu.memory_space<vmem>>, vector<1x128x1xi32>,
    %eq3A_744 = vector.broadcast %iota3A : vector<1x8192xi32> to vector<128x8192xi32>
    %eq3A_745 = vector.broadcast %broadcast_in_dim3A_727 : vector<128x1xi32> to vector<128x8192xi32>
    %eq3A_746 = arith.cmpi eq, %eq3A_744, %eq3A_745 : vector<128x8192xi32>
    %jit3A_747 = arith.constant 0x7F800000 : f32
    %broadcast_in_dim3A_748 = vector.broadcast %jit3A_747 : f32 to vector<128x8192xf32>
    %select_n3A_749 = arith.select %eq3A_746, %broadcast_in_dim3A_748, %get3A_714 : vector<128x8192xi1>, vector<128x8192xf32>
    %swap3A_750 = arith.constant 0 : index
    %swap3A_751 = arith.constant 0 : index
    %swap3A_752 = vector.load %arg7[%swap3A_750, %swap3A_751] : memref<128x8192xf32, #tpu.memory_space<vmem>>, vector<128x8192xf32>
    tpu.vector_store %arg7[%swap3A_750, %swap3A_751], %select_n3A_749 {strides = array<i32>} : memref<128x8192xf32, #tpu.memory_space<vmem>>, vector<128x8192xf32>,
    %get3A_753 = arith.constant 0 : index
    %get3A_754 = arith.constant 0 : index
    %get3A_755 = vector.load %arg7[%get3A_753, %get3A_754] : memref<128x8192xf32, #tpu.memory_space<vmem>>, vector<128x8192xf32>
    %reduce_min3A_756 = arith.constant dense<0x7F800000> : vector<128xf32>
    %reduce_min3A_757 = vector.multi_reduction <minimumf>, %get3A_755, %reduce_min3A_756 [1] : vector<128x8192xf32> to vector<128xf32>
    %broadcast_in_dim3A_758 = vector.shape_cast %reduce_min3A_757 : vector<128xf32> to vector<128x1xf32>
    %eq3A_759 = vector.broadcast %broadcast_in_dim3A_758 : vector<128x1xf32> to vector<128x8192xf32>
    %eq3A_760 = arith.cmpf oeq, %get3A_755, %eq3A_759 : vector<128x8192xf32>
    %jit3A_761 = arith.constant 8192 : i32
    %broadcast_in_dim3A_762 = vector.shape_cast %iota3A : vector<1x8192xi32> to vector<1x8192xi32>
    %broadcast_in_dim3A_763 = vector.broadcast %broadcast_in_dim3A_762 : vector<1x8192xi32> to vector<128x8192xi32>
    %broadcast_in_dim3A_764 = vector.broadcast %jit3A_761 : i32 to vector<128x8192xi32>
    %select_n3A_765 = arith.select %eq3A_760, %broadcast_in_dim3A_763, %broadcast_in_dim3A_764 : vector<128x8192xi1>, vector<128x8192xi32>
    %reduce_min3A_766 = arith.constant dense<2147483647> : vector<128xi32>
    %reduce_min3A_767 = vector.multi_reduction <minsi>, %select_n3A_765, %reduce_min3A_766 [1] : vector<128x8192xi32> to vector<128xi32>
    %broadcast_in_dim3A_768 = vector.shape_cast %reduce_min3A_767 : vector<128xi32> to vector<128x1xi32>
    %swap3A_769 = arith.constant 0 : index
    %swap3A_770 = arith.constant 0 : index
    %swap3A_771 = arith.constant 17 : index
    %swap3A_772 = vector.load %arg5[%swap3A_769, %swap3A_770, %swap3A_771] : memref<1x128x32xi32, #tpu.memory_space<vmem>>, vector<1x128x1xi32>
    %swap3A_773 = vector.shape_cast %swap3A_772 : vector<1x128x1xi32> to vector<128x1xi32>
    %swap3A_774 = vector.shape_cast %broadcast_in_dim3A_768 : vector<128x1xi32> to vector<1x128x1xi32>
    tpu.vector_store %arg5[%swap3A_769, %swap3A_770, %swap3A_771], %swap3A_774 {strides = array<i32>} : memref<1x128x32xi32, #tpu.memory_space<vmem>>, vector<1x128x1xi32>,
    %mul3A_775 = arith.constant 8192 : i32
    %mul3A_776 = arith.muli %arg0, %mul3A_775 : i32
    %add3A_777 = vector.broadcast %mul3A_776 : i32 to vector<128x1xi32>
    %add3A_778 = arith.addi %broadcast_in_dim3A_768, %add3A_777 : vector<128x1xi32>
    %swap3A_779 = arith.constant 0 : index
    %swap3A_780 = arith.constant 0 : index
    %swap3A_781 = arith.constant 17 : index
    %swap3A_782 = vector.load %arg6[%swap3A_779, %swap3A_780, %swap3A_781] : memref<1x128x32xi32, #tpu.memory_space<vmem>>, vector<1x128x1xi32>
    %swap3A_783 = vector.shape_cast %swap3A_782 : vector<1x128x1xi32> to vector<128x1xi32>
    %swap3A_784 = vector.shape_cast %add3A_778 : vector<128x1xi32> to vector<1x128x1xi32>
    tpu.vector_store %arg6[%swap3A_779, %swap3A_780, %swap3A_781], %swap3A_784 {strides = array<i32>} : memref<1x128x32xi32, #tpu.memory_space<vmem>>, vector<1x128x1xi32>,
    %eq3A_785 = vector.broadcast %iota3A : vector<1x8192xi32> to vector<128x8192xi32>
    %eq3A_786 = vector.broadcast %broadcast_in_dim3A_768 : vector<128x1xi32> to vector<128x8192xi32>
    %eq3A_787 = arith.cmpi eq, %eq3A_785, %eq3A_786 : vector<128x8192xi32>
    %jit3A_788 = arith.constant 0x7F800000 : f32
    %broadcast_in_dim3A_789 = vector.broadcast %jit3A_788 : f32 to vector<128x8192xf32>
    %select_n3A_790 = arith.select %eq3A_787, %broadcast_in_dim3A_789, %get3A_755 : vector<128x8192xi1>, vector<128x8192xf32>
    %swap3A_791 = arith.constant 0 : index
    %swap3A_792 = arith.constant 0 : index
    %swap3A_793 = vector.load %arg7[%swap3A_791, %swap3A_792] : memref<128x8192xf32, #tpu.memory_space<vmem>>, vector<128x8192xf32>
    tpu.vector_store %arg7[%swap3A_791, %swap3A_792], %select_n3A_790 {strides = array<i32>} : memref<128x8192xf32, #tpu.memory_space<vmem>>, vector<128x8192xf32>,
    %get3A_794 = arith.constant 0 : index
    %get3A_795 = arith.constant 0 : index
    %get3A_796 = vector.load %arg7[%get3A_794, %get3A_795] : memref<128x8192xf32, #tpu.memory_space<vmem>>, vector<128x8192xf32>
    %reduce_min3A_797 = arith.constant dense<0x7F800000> : vector<128xf32>
    %reduce_min3A_798 = vector.multi_reduction <minimumf>, %get3A_796, %reduce_min3A_797 [1] : vector<128x8192xf32> to vector<128xf32>
    %broadcast_in_dim3A_799 = vector.shape_cast %reduce_min3A_798 : vector<128xf32> to vector<128x1xf32>
    %eq3A_800 = vector.broadcast %broadcast_in_dim3A_799 : vector<128x1xf32> to vector<128x8192xf32>
    %eq3A_801 = arith.cmpf oeq, %get3A_796, %eq3A_800 : vector<128x8192xf32>
    %jit3A_802 = arith.constant 8192 : i32
    %broadcast_in_dim3A_803 = vector.shape_cast %iota3A : vector<1x8192xi32> to vector<1x8192xi32>
    %broadcast_in_dim3A_804 = vector.broadcast %broadcast_in_dim3A_803 : vector<1x8192xi32> to vector<128x8192xi32>
    %broadcast_in_dim3A_805 = vector.broadcast %jit3A_802 : i32 to vector<128x8192xi32>
    %select_n3A_806 = arith.select %eq3A_801, %broadcast_in_dim3A_804, %broadcast_in_dim3A_805 : vector<128x8192xi1>, vector<128x8192xi32>
    %reduce_min3A_807 = arith.constant dense<2147483647> : vector<128xi32>
    %reduce_min3A_808 = vector.multi_reduction <minsi>, %select_n3A_806, %reduce_min3A_807 [1] : vector<128x8192xi32> to vector<128xi32>
    %broadcast_in_dim3A_809 = vector.shape_cast %reduce_min3A_808 : vector<128xi32> to vector<128x1xi32>
    %swap3A_810 = arith.constant 0 : index
    %swap3A_811 = arith.constant 0 : index
    %swap3A_812 = arith.constant 18 : index
    %swap3A_813 = vector.load %arg5[%swap3A_810, %swap3A_811, %swap3A_812] : memref<1x128x32xi32, #tpu.memory_space<vmem>>, vector<1x128x1xi32>
    %swap3A_814 = vector.shape_cast %swap3A_813 : vector<1x128x1xi32> to vector<128x1xi32>
    %swap3A_815 = vector.shape_cast %broadcast_in_dim3A_809 : vector<128x1xi32> to vector<1x128x1xi32>
    tpu.vector_store %arg5[%swap3A_810, %swap3A_811, %swap3A_812], %swap3A_815 {strides = array<i32>} : memref<1x128x32xi32, #tpu.memory_space<vmem>>, vector<1x128x1xi32>,
    %mul3A_816 = arith.constant 8192 : i32
    %mul3A_817 = arith.muli %arg0, %mul3A_816 : i32
    %add3A_818 = vector.broadcast %mul3A_817 : i32 to vector<128x1xi32>
    %add3A_819 = arith.addi %broadcast_in_dim3A_809, %add3A_818 : vector<128x1xi32>
    %swap3A_820 = arith.constant 0 : index
    %swap3A_821 = arith.constant 0 : index
    %swap3A_822 = arith.constant 18 : index
    %swap3A_823 = vector.load %arg6[%swap3A_820, %swap3A_821, %swap3A_822] : memref<1x128x32xi32, #tpu.memory_space<vmem>>, vector<1x128x1xi32>
    %swap3A_824 = vector.shape_cast %swap3A_823 : vector<1x128x1xi32> to vector<128x1xi32>
    %swap3A_825 = vector.shape_cast %add3A_819 : vector<128x1xi32> to vector<1x128x1xi32>
    tpu.vector_store %arg6[%swap3A_820, %swap3A_821, %swap3A_822], %swap3A_825 {strides = array<i32>} : memref<1x128x32xi32, #tpu.memory_space<vmem>>, vector<1x128x1xi32>,
    %eq3A_826 = vector.broadcast %iota3A : vector<1x8192xi32> to vector<128x8192xi32>
    %eq3A_827 = vector.broadcast %broadcast_in_dim3A_809 : vector<128x1xi32> to vector<128x8192xi32>
    %eq3A_828 = arith.cmpi eq, %eq3A_826, %eq3A_827 : vector<128x8192xi32>
    %jit3A_829 = arith.constant 0x7F800000 : f32
    %broadcast_in_dim3A_830 = vector.broadcast %jit3A_829 : f32 to vector<128x8192xf32>
    %select_n3A_831 = arith.select %eq3A_828, %broadcast_in_dim3A_830, %get3A_796 : vector<128x8192xi1>, vector<128x8192xf32>
    %swap3A_832 = arith.constant 0 : index
    %swap3A_833 = arith.constant 0 : index
    %swap3A_834 = vector.load %arg7[%swap3A_832, %swap3A_833] : memref<128x8192xf32, #tpu.memory_space<vmem>>, vector<128x8192xf32>
    tpu.vector_store %arg7[%swap3A_832, %swap3A_833], %select_n3A_831 {strides = array<i32>} : memref<128x8192xf32, #tpu.memory_space<vmem>>, vector<128x8192xf32>,
    %get3A_835 = arith.constant 0 : index
    %get3A_836 = arith.constant 0 : index
    %get3A_837 = vector.load %arg7[%get3A_835, %get3A_836] : memref<128x8192xf32, #tpu.memory_space<vmem>>, vector<128x8192xf32>
    %reduce_min3A_838 = arith.constant dense<0x7F800000> : vector<128xf32>
    %reduce_min3A_839 = vector.multi_reduction <minimumf>, %get3A_837, %reduce_min3A_838 [1] : vector<128x8192xf32> to vector<128xf32>
    %broadcast_in_dim3A_840 = vector.shape_cast %reduce_min3A_839 : vector<128xf32> to vector<128x1xf32>
    %eq3A_841 = vector.broadcast %broadcast_in_dim3A_840 : vector<128x1xf32> to vector<128x8192xf32>
    %eq3A_842 = arith.cmpf oeq, %get3A_837, %eq3A_841 : vector<128x8192xf32>
    %jit3A_843 = arith.constant 8192 : i32
    %broadcast_in_dim3A_844 = vector.shape_cast %iota3A : vector<1x8192xi32> to vector<1x8192xi32>
    %broadcast_in_dim3A_845 = vector.broadcast %broadcast_in_dim3A_844 : vector<1x8192xi32> to vector<128x8192xi32>
    %broadcast_in_dim3A_846 = vector.broadcast %jit3A_843 : i32 to vector<128x8192xi32>
    %select_n3A_847 = arith.select %eq3A_842, %broadcast_in_dim3A_845, %broadcast_in_dim3A_846 : vector<128x8192xi1>, vector<128x8192xi32>
    %reduce_min3A_848 = arith.constant dense<2147483647> : vector<128xi32>
    %reduce_min3A_849 = vector.multi_reduction <minsi>, %select_n3A_847, %reduce_min3A_848 [1] : vector<128x8192xi32> to vector<128xi32>
    %broadcast_in_dim3A_850 = vector.shape_cast %reduce_min3A_849 : vector<128xi32> to vector<128x1xi32>
    %swap3A_851 = arith.constant 0 : index
    %swap3A_852 = arith.constant 0 : index
    %swap3A_853 = arith.constant 19 : index
    %swap3A_854 = vector.load %arg5[%swap3A_851, %swap3A_852, %swap3A_853] : memref<1x128x32xi32, #tpu.memory_space<vmem>>, vector<1x128x1xi32>
    %swap3A_855 = vector.shape_cast %swap3A_854 : vector<1x128x1xi32> to vector<128x1xi32>
    %swap3A_856 = vector.shape_cast %broadcast_in_dim3A_850 : vector<128x1xi32> to vector<1x128x1xi32>
    tpu.vector_store %arg5[%swap3A_851, %swap3A_852, %swap3A_853], %swap3A_856 {strides = array<i32>} : memref<1x128x32xi32, #tpu.memory_space<vmem>>, vector<1x128x1xi32>,
    %mul3A_857 = arith.constant 8192 : i32
    %mul3A_858 = arith.muli %arg0, %mul3A_857 : i32
    %add3A_859 = vector.broadcast %mul3A_858 : i32 to vector<128x1xi32>
    %add3A_860 = arith.addi %broadcast_in_dim3A_850, %add3A_859 : vector<128x1xi32>
    %swap3A_861 = arith.constant 0 : index
    %swap3A_862 = arith.constant 0 : index
    %swap3A_863 = arith.constant 19 : index
    %swap3A_864 = vector.load %arg6[%swap3A_861, %swap3A_862, %swap3A_863] : memref<1x128x32xi32, #tpu.memory_space<vmem>>, vector<1x128x1xi32>
    %swap3A_865 = vector.shape_cast %swap3A_864 : vector<1x128x1xi32> to vector<128x1xi32>
    %swap3A_866 = vector.shape_cast %add3A_860 : vector<128x1xi32> to vector<1x128x1xi32>
    tpu.vector_store %arg6[%swap3A_861, %swap3A_862, %swap3A_863], %swap3A_866 {strides = array<i32>} : memref<1x128x32xi32, #tpu.memory_space<vmem>>, vector<1x128x1xi32>,
    %eq3A_867 = vector.broadcast %iota3A : vector<1x8192xi32> to vector<128x8192xi32>
    %eq3A_868 = vector.broadcast %broadcast_in_dim3A_850 : vector<128x1xi32> to vector<128x8192xi32>
    %eq3A_869 = arith.cmpi eq, %eq3A_867, %eq3A_868 : vector<128x8192xi32>
    %jit3A_870 = arith.constant 0x7F800000 : f32
    %broadcast_in_dim3A_871 = vector.broadcast %jit3A_870 : f32 to vector<128x8192xf32>
    %select_n3A_872 = arith.select %eq3A_869, %broadcast_in_dim3A_871, %get3A_837 : vector<128x8192xi1>, vector<128x8192xf32>
    %swap3A_873 = arith.constant 0 : index
    %swap3A_874 = arith.constant 0 : index
    %swap3A_875 = vector.load %arg7[%swap3A_873, %swap3A_874] : memref<128x8192xf32, #tpu.memory_space<vmem>>, vector<128x8192xf32>
    tpu.vector_store %arg7[%swap3A_873, %swap3A_874], %select_n3A_872 {strides = array<i32>} : memref<128x8192xf32, #tpu.memory_space<vmem>>, vector<128x8192xf32>,
    %get3A_876 = arith.constant 0 : index
    %get3A_877 = arith.constant 0 : index
    %get3A_878 = vector.load %arg7[%get3A_876, %get3A_877] : memref<128x8192xf32, #tpu.memory_space<vmem>>, vector<128x8192xf32>
    %reduce_min3A_879 = arith.constant dense<0x7F800000> : vector<128xf32>
    %reduce_min3A_880 = vector.multi_reduction <minimumf>, %get3A_878, %reduce_min3A_879 [1] : vector<128x8192xf32> to vector<128xf32>
    %broadcast_in_dim3A_881 = vector.shape_cast %reduce_min3A_880 : vector<128xf32> to vector<128x1xf32>
    %eq3A_882 = vector.broadcast %broadcast_in_dim3A_881 : vector<128x1xf32> to vector<128x8192xf32>
    %eq3A_883 = arith.cmpf oeq, %get3A_878, %eq3A_882 : vector<128x8192xf32>
    %jit3A_884 = arith.constant 8192 : i32
    %broadcast_in_dim3A_885 = vector.shape_cast %iota3A : vector<1x8192xi32> to vector<1x8192xi32>
    %broadcast_in_dim3A_886 = vector.broadcast %broadcast_in_dim3A_885 : vector<1x8192xi32> to vector<128x8192xi32>
    %broadcast_in_dim3A_887 = vector.broadcast %jit3A_884 : i32 to vector<128x8192xi32>
    %select_n3A_888 = arith.select %eq3A_883, %broadcast_in_dim3A_886, %broadcast_in_dim3A_887 : vector<128x8192xi1>, vector<128x8192xi32>
    %reduce_min3A_889 = arith.constant dense<2147483647> : vector<128xi32>
    %reduce_min3A_890 = vector.multi_reduction <minsi>, %select_n3A_888, %reduce_min3A_889 [1] : vector<128x8192xi32> to vector<128xi32>
    %broadcast_in_dim3A_891 = vector.shape_cast %reduce_min3A_890 : vector<128xi32> to vector<128x1xi32>
    %swap3A_892 = arith.constant 0 : index
    %swap3A_893 = arith.constant 0 : index
    %swap3A_894 = arith.constant 20 : index
    %swap3A_895 = vector.load %arg5[%swap3A_892, %swap3A_893, %swap3A_894] : memref<1x128x32xi32, #tpu.memory_space<vmem>>, vector<1x128x1xi32>
    %swap3A_896 = vector.shape_cast %swap3A_895 : vector<1x128x1xi32> to vector<128x1xi32>
    %swap3A_897 = vector.shape_cast %broadcast_in_dim3A_891 : vector<128x1xi32> to vector<1x128x1xi32>
    tpu.vector_store %arg5[%swap3A_892, %swap3A_893, %swap3A_894], %swap3A_897 {strides = array<i32>} : memref<1x128x32xi32, #tpu.memory_space<vmem>>, vector<1x128x1xi32>,
    %mul3A_898 = arith.constant 8192 : i32
    %mul3A_899 = arith.muli %arg0, %mul3A_898 : i32
    %add3A_900 = vector.broadcast %mul3A_899 : i32 to vector<128x1xi32>
    %add3A_901 = arith.addi %broadcast_in_dim3A_891, %add3A_900 : vector<128x1xi32>
    %swap3A_902 = arith.constant 0 : index
    %swap3A_903 = arith.constant 0 : index
    %swap3A_904 = arith.constant 20 : index
    %swap3A_905 = vector.load %arg6[%swap3A_902, %swap3A_903, %swap3A_904] : memref<1x128x32xi32, #tpu.memory_space<vmem>>, vector<1x128x1xi32>
    %swap3A_906 = vector.shape_cast %swap3A_905 : vector<1x128x1xi32> to vector<128x1xi32>
    %swap3A_907 = vector.shape_cast %add3A_901 : vector<128x1xi32> to vector<1x128x1xi32>
    tpu.vector_store %arg6[%swap3A_902, %swap3A_903, %swap3A_904], %swap3A_907 {strides = array<i32>} : memref<1x128x32xi32, #tpu.memory_space<vmem>>, vector<1x128x1xi32>,
    %eq3A_908 = vector.broadcast %iota3A : vector<1x8192xi32> to vector<128x8192xi32>
    %eq3A_909 = vector.broadcast %broadcast_in_dim3A_891 : vector<128x1xi32> to vector<128x8192xi32>
    %eq3A_910 = arith.cmpi eq, %eq3A_908, %eq3A_909 : vector<128x8192xi32>
    %jit3A_911 = arith.constant 0x7F800000 : f32
    %broadcast_in_dim3A_912 = vector.broadcast %jit3A_911 : f32 to vector<128x8192xf32>
    %select_n3A_913 = arith.select %eq3A_910, %broadcast_in_dim3A_912, %get3A_878 : vector<128x8192xi1>, vector<128x8192xf32>
    %swap3A_914 = arith.constant 0 : index
    %swap3A_915 = arith.constant 0 : index
    %swap3A_916 = vector.load %arg7[%swap3A_914, %swap3A_915] : memref<128x8192xf32, #tpu.memory_space<vmem>>, vector<128x8192xf32>
    tpu.vector_store %arg7[%swap3A_914, %swap3A_915], %select_n3A_913 {strides = array<i32>} : memref<128x8192xf32, #tpu.memory_space<vmem>>, vector<128x8192xf32>,
    %get3A_917 = arith.constant 0 : index
    %get3A_918 = arith.constant 0 : index
    %get3A_919 = vector.load %arg7[%get3A_917, %get3A_918] : memref<128x8192xf32, #tpu.memory_space<vmem>>, vector<128x8192xf32>
    %reduce_min3A_920 = arith.constant dense<0x7F800000> : vector<128xf32>
    %reduce_min3A_921 = vector.multi_reduction <minimumf>, %get3A_919, %reduce_min3A_920 [1] : vector<128x8192xf32> to vector<128xf32>
    %broadcast_in_dim3A_922 = vector.shape_cast %reduce_min3A_921 : vector<128xf32> to vector<128x1xf32>
    %eq3A_923 = vector.broadcast %broadcast_in_dim3A_922 : vector<128x1xf32> to vector<128x8192xf32>
    %eq3A_924 = arith.cmpf oeq, %get3A_919, %eq3A_923 : vector<128x8192xf32>
    %jit3A_925 = arith.constant 8192 : i32
    %broadcast_in_dim3A_926 = vector.shape_cast %iota3A : vector<1x8192xi32> to vector<1x8192xi32>
    %broadcast_in_dim3A_927 = vector.broadcast %broadcast_in_dim3A_926 : vector<1x8192xi32> to vector<128x8192xi32>
    %broadcast_in_dim3A_928 = vector.broadcast %jit3A_925 : i32 to vector<128x8192xi32>
    %select_n3A_929 = arith.select %eq3A_924, %broadcast_in_dim3A_927, %broadcast_in_dim3A_928 : vector<128x8192xi1>, vector<128x8192xi32>
    %reduce_min3A_930 = arith.constant dense<2147483647> : vector<128xi32>
    %reduce_min3A_931 = vector.multi_reduction <minsi>, %select_n3A_929, %reduce_min3A_930 [1] : vector<128x8192xi32> to vector<128xi32>
    %broadcast_in_dim3A_932 = vector.shape_cast %reduce_min3A_931 : vector<128xi32> to vector<128x1xi32>
    %swap3A_933 = arith.constant 0 : index
    %swap3A_934 = arith.constant 0 : index
    %swap3A_935 = arith.constant 21 : index
    %swap3A_936 = vector.load %arg5[%swap3A_933, %swap3A_934, %swap3A_935] : memref<1x128x32xi32, #tpu.memory_space<vmem>>, vector<1x128x1xi32>
    %swap3A_937 = vector.shape_cast %swap3A_936 : vector<1x128x1xi32> to vector<128x1xi32>
    %swap3A_938 = vector.shape_cast %broadcast_in_dim3A_932 : vector<128x1xi32> to vector<1x128x1xi32>
    tpu.vector_store %arg5[%swap3A_933, %swap3A_934, %swap3A_935], %swap3A_938 {strides = array<i32>} : memref<1x128x32xi32, #tpu.memory_space<vmem>>, vector<1x128x1xi32>,
    %mul3A_939 = arith.constant 8192 : i32
    %mul3A_940 = arith.muli %arg0, %mul3A_939 : i32
    %add3A_941 = vector.broadcast %mul3A_940 : i32 to vector<128x1xi32>
    %add3A_942 = arith.addi %broadcast_in_dim3A_932, %add3A_941 : vector<128x1xi32>
    %swap3A_943 = arith.constant 0 : index
    %swap3A_944 = arith.constant 0 : index
    %swap3A_945 = arith.constant 21 : index
    %swap3A_946 = vector.load %arg6[%swap3A_943, %swap3A_944, %swap3A_945] : memref<1x128x32xi32, #tpu.memory_space<vmem>>, vector<1x128x1xi32>
    %swap3A_947 = vector.shape_cast %swap3A_946 : vector<1x128x1xi32> to vector<128x1xi32>
    %swap3A_948 = vector.shape_cast %add3A_942 : vector<128x1xi32> to vector<1x128x1xi32>
    tpu.vector_store %arg6[%swap3A_943, %swap3A_944, %swap3A_945], %swap3A_948 {strides = array<i32>} : memref<1x128x32xi32, #tpu.memory_space<vmem>>, vector<1x128x1xi32>,
    %eq3A_949 = vector.broadcast %iota3A : vector<1x8192xi32> to vector<128x8192xi32>
    %eq3A_950 = vector.broadcast %broadcast_in_dim3A_932 : vector<128x1xi32> to vector<128x8192xi32>
    %eq3A_951 = arith.cmpi eq, %eq3A_949, %eq3A_950 : vector<128x8192xi32>
    %jit3A_952 = arith.constant 0x7F800000 : f32
    %broadcast_in_dim3A_953 = vector.broadcast %jit3A_952 : f32 to vector<128x8192xf32>
    %select_n3A_954 = arith.select %eq3A_951, %broadcast_in_dim3A_953, %get3A_919 : vector<128x8192xi1>, vector<128x8192xf32>
    %swap3A_955 = arith.constant 0 : index
    %swap3A_956 = arith.constant 0 : index
    %swap3A_957 = vector.load %arg7[%swap3A_955, %swap3A_956] : memref<128x8192xf32, #tpu.memory_space<vmem>>, vector<128x8192xf32>
    tpu.vector_store %arg7[%swap3A_955, %swap3A_956], %select_n3A_954 {strides = array<i32>} : memref<128x8192xf32, #tpu.memory_space<vmem>>, vector<128x8192xf32>,
    %get3A_958 = arith.constant 0 : index
    %get3A_959 = arith.constant 0 : index
    %get3A_960 = vector.load %arg7[%get3A_958, %get3A_959] : memref<128x8192xf32, #tpu.memory_space<vmem>>, vector<128x8192xf32>
    %reduce_min3A_961 = arith.constant dense<0x7F800000> : vector<128xf32>
    %reduce_min3A_962 = vector.multi_reduction <minimumf>, %get3A_960, %reduce_min3A_961 [1] : vector<128x8192xf32> to vector<128xf32>
    %broadcast_in_dim3A_963 = vector.shape_cast %reduce_min3A_962 : vector<128xf32> to vector<128x1xf32>
    %eq3A_964 = vector.broadcast %broadcast_in_dim3A_963 : vector<128x1xf32> to vector<128x8192xf32>
    %eq3A_965 = arith.cmpf oeq, %get3A_960, %eq3A_964 : vector<128x8192xf32>
    %jit3A_966 = arith.constant 8192 : i32
    %broadcast_in_dim3A_967 = vector.shape_cast %iota3A : vector<1x8192xi32> to vector<1x8192xi32>
    %broadcast_in_dim3A_968 = vector.broadcast %broadcast_in_dim3A_967 : vector<1x8192xi32> to vector<128x8192xi32>
    %broadcast_in_dim3A_969 = vector.broadcast %jit3A_966 : i32 to vector<128x8192xi32>
    %select_n3A_970 = arith.select %eq3A_965, %broadcast_in_dim3A_968, %broadcast_in_dim3A_969 : vector<128x8192xi1>, vector<128x8192xi32>
    %reduce_min3A_971 = arith.constant dense<2147483647> : vector<128xi32>
    %reduce_min3A_972 = vector.multi_reduction <minsi>, %select_n3A_970, %reduce_min3A_971 [1] : vector<128x8192xi32> to vector<128xi32>
    %broadcast_in_dim3A_973 = vector.shape_cast %reduce_min3A_972 : vector<128xi32> to vector<128x1xi32>
    %swap3A_974 = arith.constant 0 : index
    %swap3A_975 = arith.constant 0 : index
    %swap3A_976 = arith.constant 22 : index
    %swap3A_977 = vector.load %arg5[%swap3A_974, %swap3A_975, %swap3A_976] : memref<1x128x32xi32, #tpu.memory_space<vmem>>, vector<1x128x1xi32>
    %swap3A_978 = vector.shape_cast %swap3A_977 : vector<1x128x1xi32> to vector<128x1xi32>
    %swap3A_979 = vector.shape_cast %broadcast_in_dim3A_973 : vector<128x1xi32> to vector<1x128x1xi32>
    tpu.vector_store %arg5[%swap3A_974, %swap3A_975, %swap3A_976], %swap3A_979 {strides = array<i32>} : memref<1x128x32xi32, #tpu.memory_space<vmem>>, vector<1x128x1xi32>,
    %mul3A_980 = arith.constant 8192 : i32
    %mul3A_981 = arith.muli %arg0, %mul3A_980 : i32
    %add3A_982 = vector.broadcast %mul3A_981 : i32 to vector<128x1xi32>
    %add3A_983 = arith.addi %broadcast_in_dim3A_973, %add3A_982 : vector<128x1xi32>
    %swap3A_984 = arith.constant 0 : index
    %swap3A_985 = arith.constant 0 : index
    %swap3A_986 = arith.constant 22 : index
    %swap3A_987 = vector.load %arg6[%swap3A_984, %swap3A_985, %swap3A_986] : memref<1x128x32xi32, #tpu.memory_space<vmem>>, vector<1x128x1xi32>
    %swap3A_988 = vector.shape_cast %swap3A_987 : vector<1x128x1xi32> to vector<128x1xi32>
    %swap3A_989 = vector.shape_cast %add3A_983 : vector<128x1xi32> to vector<1x128x1xi32>
    tpu.vector_store %arg6[%swap3A_984, %swap3A_985, %swap3A_986], %swap3A_989 {strides = array<i32>} : memref<1x128x32xi32, #tpu.memory_space<vmem>>, vector<1x128x1xi32>,
    %eq3A_990 = vector.broadcast %iota3A : vector<1x8192xi32> to vector<128x8192xi32>
    %eq3A_991 = vector.broadcast %broadcast_in_dim3A_973 : vector<128x1xi32> to vector<128x8192xi32>
    %eq3A_992 = arith.cmpi eq, %eq3A_990, %eq3A_991 : vector<128x8192xi32>
    %jit3A_993 = arith.constant 0x7F800000 : f32
    %broadcast_in_dim3A_994 = vector.broadcast %jit3A_993 : f32 to vector<128x8192xf32>
    %select_n3A_995 = arith.select %eq3A_992, %broadcast_in_dim3A_994, %get3A_960 : vector<128x8192xi1>, vector<128x8192xf32>
    %swap3A_996 = arith.constant 0 : index
    %swap3A_997 = arith.constant 0 : index
    %swap3A_998 = vector.load %arg7[%swap3A_996, %swap3A_997] : memref<128x8192xf32, #tpu.memory_space<vmem>>, vector<128x8192xf32>
    tpu.vector_store %arg7[%swap3A_996, %swap3A_997], %select_n3A_995 {strides = array<i32>} : memref<128x8192xf32, #tpu.memory_space<vmem>>, vector<128x8192xf32>,
    %get3A_999 = arith.constant 0 : index
    %get3A_1000 = arith.constant 0 : index
    %get3A_1001 = vector.load %arg7[%get3A_999, %get3A_1000] : memref<128x8192xf32, #tpu.memory_space<vmem>>, vector<128x8192xf32>
    %reduce_min3A_1002 = arith.constant dense<0x7F800000> : vector<128xf32>
    %reduce_min3A_1003 = vector.multi_reduction <minimumf>, %get3A_1001, %reduce_min3A_1002 [1] : vector<128x8192xf32> to vector<128xf32>
    %broadcast_in_dim3A_1004 = vector.shape_cast %reduce_min3A_1003 : vector<128xf32> to vector<128x1xf32>
    %eq3A_1005 = vector.broadcast %broadcast_in_dim3A_1004 : vector<128x1xf32> to vector<128x8192xf32>
    %eq3A_1006 = arith.cmpf oeq, %get3A_1001, %eq3A_1005 : vector<128x8192xf32>
    %jit3A_1007 = arith.constant 8192 : i32
    %broadcast_in_dim3A_1008 = vector.shape_cast %iota3A : vector<1x8192xi32> to vector<1x8192xi32>
    %broadcast_in_dim3A_1009 = vector.broadcast %broadcast_in_dim3A_1008 : vector<1x8192xi32> to vector<128x8192xi32>
    %broadcast_in_dim3A_1010 = vector.broadcast %jit3A_1007 : i32 to vector<128x8192xi32>
    %select_n3A_1011 = arith.select %eq3A_1006, %broadcast_in_dim3A_1009, %broadcast_in_dim3A_1010 : vector<128x8192xi1>, vector<128x8192xi32>
    %reduce_min3A_1012 = arith.constant dense<2147483647> : vector<128xi32>
    %reduce_min3A_1013 = vector.multi_reduction <minsi>, %select_n3A_1011, %reduce_min3A_1012 [1] : vector<128x8192xi32> to vector<128xi32>
    %broadcast_in_dim3A_1014 = vector.shape_cast %reduce_min3A_1013 : vector<128xi32> to vector<128x1xi32>
    %swap3A_1015 = arith.constant 0 : index
    %swap3A_1016 = arith.constant 0 : index
    %swap3A_1017 = arith.constant 23 : index
    %swap3A_1018 = vector.load %arg5[%swap3A_1015, %swap3A_1016, %swap3A_1017] : memref<1x128x32xi32, #tpu.memory_space<vmem>>, vector<1x128x1xi32>
    %swap3A_1019 = vector.shape_cast %swap3A_1018 : vector<1x128x1xi32> to vector<128x1xi32>
    %swap3A_1020 = vector.shape_cast %broadcast_in_dim3A_1014 : vector<128x1xi32> to vector<1x128x1xi32>
    tpu.vector_store %arg5[%swap3A_1015, %swap3A_1016, %swap3A_1017], %swap3A_1020 {strides = array<i32>} : memref<1x128x32xi32, #tpu.memory_space<vmem>>, vector<1x128x1xi32>,
    %mul3A_1021 = arith.constant 8192 : i32
    %mul3A_1022 = arith.muli %arg0, %mul3A_1021 : i32
    %add3A_1023 = vector.broadcast %mul3A_1022 : i32 to vector<128x1xi32>
    %add3A_1024 = arith.addi %broadcast_in_dim3A_1014, %add3A_1023 : vector<128x1xi32>
    %swap3A_1025 = arith.constant 0 : index
    %swap3A_1026 = arith.constant 0 : index
    %swap3A_1027 = arith.constant 23 : index
    %swap3A_1028 = vector.load %arg6[%swap3A_1025, %swap3A_1026, %swap3A_1027] : memref<1x128x32xi32, #tpu.memory_space<vmem>>, vector<1x128x1xi32>
    %swap3A_1029 = vector.shape_cast %swap3A_1028 : vector<1x128x1xi32> to vector<128x1xi32>
    %swap3A_1030 = vector.shape_cast %add3A_1024 : vector<128x1xi32> to vector<1x128x1xi32>
    tpu.vector_store %arg6[%swap3A_1025, %swap3A_1026, %swap3A_1027], %swap3A_1030 {strides = array<i32>} : memref<1x128x32xi32, #tpu.memory_space<vmem>>, vector<1x128x1xi32>,
    %eq3A_1031 = vector.broadcast %iota3A : vector<1x8192xi32> to vector<128x8192xi32>
    %eq3A_1032 = vector.broadcast %broadcast_in_dim3A_1014 : vector<128x1xi32> to vector<128x8192xi32>
    %eq3A_1033 = arith.cmpi eq, %eq3A_1031, %eq3A_1032 : vector<128x8192xi32>
    %jit3A_1034 = arith.constant 0x7F800000 : f32
    %broadcast_in_dim3A_1035 = vector.broadcast %jit3A_1034 : f32 to vector<128x8192xf32>
    %select_n3A_1036 = arith.select %eq3A_1033, %broadcast_in_dim3A_1035, %get3A_1001 : vector<128x8192xi1>, vector<128x8192xf32>
    %swap3A_1037 = arith.constant 0 : index
    %swap3A_1038 = arith.constant 0 : index
    %swap3A_1039 = vector.load %arg7[%swap3A_1037, %swap3A_1038] : memref<128x8192xf32, #tpu.memory_space<vmem>>, vector<128x8192xf32>
    tpu.vector_store %arg7[%swap3A_1037, %swap3A_1038], %select_n3A_1036 {strides = array<i32>} : memref<128x8192xf32, #tpu.memory_space<vmem>>, vector<128x8192xf32>,
    %get3A_1040 = arith.constant 0 : index
    %get3A_1041 = arith.constant 0 : index
    %get3A_1042 = vector.load %arg7[%get3A_1040, %get3A_1041] : memref<128x8192xf32, #tpu.memory_space<vmem>>, vector<128x8192xf32>
    %reduce_min3A_1043 = arith.constant dense<0x7F800000> : vector<128xf32>
    %reduce_min3A_1044 = vector.multi_reduction <minimumf>, %get3A_1042, %reduce_min3A_1043 [1] : vector<128x8192xf32> to vector<128xf32>
    %broadcast_in_dim3A_1045 = vector.shape_cast %reduce_min3A_1044 : vector<128xf32> to vector<128x1xf32>
    %eq3A_1046 = vector.broadcast %broadcast_in_dim3A_1045 : vector<128x1xf32> to vector<128x8192xf32>
    %eq3A_1047 = arith.cmpf oeq, %get3A_1042, %eq3A_1046 : vector<128x8192xf32>
    %jit3A_1048 = arith.constant 8192 : i32
    %broadcast_in_dim3A_1049 = vector.shape_cast %iota3A : vector<1x8192xi32> to vector<1x8192xi32>
    %broadcast_in_dim3A_1050 = vector.broadcast %broadcast_in_dim3A_1049 : vector<1x8192xi32> to vector<128x8192xi32>
    %broadcast_in_dim3A_1051 = vector.broadcast %jit3A_1048 : i32 to vector<128x8192xi32>
    %select_n3A_1052 = arith.select %eq3A_1047, %broadcast_in_dim3A_1050, %broadcast_in_dim3A_1051 : vector<128x8192xi1>, vector<128x8192xi32>
    %reduce_min3A_1053 = arith.constant dense<2147483647> : vector<128xi32>
    %reduce_min3A_1054 = vector.multi_reduction <minsi>, %select_n3A_1052, %reduce_min3A_1053 [1] : vector<128x8192xi32> to vector<128xi32>
    %broadcast_in_dim3A_1055 = vector.shape_cast %reduce_min3A_1054 : vector<128xi32> to vector<128x1xi32>
    %swap3A_1056 = arith.constant 0 : index
    %swap3A_1057 = arith.constant 0 : index
    %swap3A_1058 = arith.constant 24 : index
    %swap3A_1059 = vector.load %arg5[%swap3A_1056, %swap3A_1057, %swap3A_1058] : memref<1x128x32xi32, #tpu.memory_space<vmem>>, vector<1x128x1xi32>
    %swap3A_1060 = vector.shape_cast %swap3A_1059 : vector<1x128x1xi32> to vector<128x1xi32>
    %swap3A_1061 = vector.shape_cast %broadcast_in_dim3A_1055 : vector<128x1xi32> to vector<1x128x1xi32>
    tpu.vector_store %arg5[%swap3A_1056, %swap3A_1057, %swap3A_1058], %swap3A_1061 {strides = array<i32>} : memref<1x128x32xi32, #tpu.memory_space<vmem>>, vector<1x128x1xi32>,
    %mul3A_1062 = arith.constant 8192 : i32
    %mul3A_1063 = arith.muli %arg0, %mul3A_1062 : i32
    %add3A_1064 = vector.broadcast %mul3A_1063 : i32 to vector<128x1xi32>
    %add3A_1065 = arith.addi %broadcast_in_dim3A_1055, %add3A_1064 : vector<128x1xi32>
    %swap3A_1066 = arith.constant 0 : index
    %swap3A_1067 = arith.constant 0 : index
    %swap3A_1068 = arith.constant 24 : index
    %swap3A_1069 = vector.load %arg6[%swap3A_1066, %swap3A_1067, %swap3A_1068] : memref<1x128x32xi32, #tpu.memory_space<vmem>>, vector<1x128x1xi32>
    %swap3A_1070 = vector.shape_cast %swap3A_1069 : vector<1x128x1xi32> to vector<128x1xi32>
    %swap3A_1071 = vector.shape_cast %add3A_1065 : vector<128x1xi32> to vector<1x128x1xi32>
    tpu.vector_store %arg6[%swap3A_1066, %swap3A_1067, %swap3A_1068], %swap3A_1071 {strides = array<i32>} : memref<1x128x32xi32, #tpu.memory_space<vmem>>, vector<1x128x1xi32>,
    %eq3A_1072 = vector.broadcast %iota3A : vector<1x8192xi32> to vector<128x8192xi32>
    %eq3A_1073 = vector.broadcast %broadcast_in_dim3A_1055 : vector<128x1xi32> to vector<128x8192xi32>
    %eq3A_1074 = arith.cmpi eq, %eq3A_1072, %eq3A_1073 : vector<128x8192xi32>
    %jit3A_1075 = arith.constant 0x7F800000 : f32
    %broadcast_in_dim3A_1076 = vector.broadcast %jit3A_1075 : f32 to vector<128x8192xf32>
    %select_n3A_1077 = arith.select %eq3A_1074, %broadcast_in_dim3A_1076, %get3A_1042 : vector<128x8192xi1>, vector<128x8192xf32>
    %swap3A_1078 = arith.constant 0 : index
    %swap3A_1079 = arith.constant 0 : index
    %swap3A_1080 = vector.load %arg7[%swap3A_1078, %swap3A_1079] : memref<128x8192xf32, #tpu.memory_space<vmem>>, vector<128x8192xf32>
    tpu.vector_store %arg7[%swap3A_1078, %swap3A_1079], %select_n3A_1077 {strides = array<i32>} : memref<128x8192xf32, #tpu.memory_space<vmem>>, vector<128x8192xf32>,
    %get3A_1081 = arith.constant 0 : index
    %get3A_1082 = arith.constant 0 : index
    %get3A_1083 = vector.load %arg7[%get3A_1081, %get3A_1082] : memref<128x8192xf32, #tpu.memory_space<vmem>>, vector<128x8192xf32>
    %reduce_min3A_1084 = arith.constant dense<0x7F800000> : vector<128xf32>
    %reduce_min3A_1085 = vector.multi_reduction <minimumf>, %get3A_1083, %reduce_min3A_1084 [1] : vector<128x8192xf32> to vector<128xf32>
    %broadcast_in_dim3A_1086 = vector.shape_cast %reduce_min3A_1085 : vector<128xf32> to vector<128x1xf32>
    %eq3A_1087 = vector.broadcast %broadcast_in_dim3A_1086 : vector<128x1xf32> to vector<128x8192xf32>
    %eq3A_1088 = arith.cmpf oeq, %get3A_1083, %eq3A_1087 : vector<128x8192xf32>
    %jit3A_1089 = arith.constant 8192 : i32
    %broadcast_in_dim3A_1090 = vector.shape_cast %iota3A : vector<1x8192xi32> to vector<1x8192xi32>
    %broadcast_in_dim3A_1091 = vector.broadcast %broadcast_in_dim3A_1090 : vector<1x8192xi32> to vector<128x8192xi32>
    %broadcast_in_dim3A_1092 = vector.broadcast %jit3A_1089 : i32 to vector<128x8192xi32>
    %select_n3A_1093 = arith.select %eq3A_1088, %broadcast_in_dim3A_1091, %broadcast_in_dim3A_1092 : vector<128x8192xi1>, vector<128x8192xi32>
    %reduce_min3A_1094 = arith.constant dense<2147483647> : vector<128xi32>
    %reduce_min3A_1095 = vector.multi_reduction <minsi>, %select_n3A_1093, %reduce_min3A_1094 [1] : vector<128x8192xi32> to vector<128xi32>
    %broadcast_in_dim3A_1096 = vector.shape_cast %reduce_min3A_1095 : vector<128xi32> to vector<128x1xi32>
    %swap3A_1097 = arith.constant 0 : index
    %swap3A_1098 = arith.constant 0 : index
    %swap3A_1099 = arith.constant 25 : index
    %swap3A_1100 = vector.load %arg5[%swap3A_1097, %swap3A_1098, %swap3A_1099] : memref<1x128x32xi32, #tpu.memory_space<vmem>>, vector<1x128x1xi32>
    %swap3A_1101 = vector.shape_cast %swap3A_1100 : vector<1x128x1xi32> to vector<128x1xi32>
    %swap3A_1102 = vector.shape_cast %broadcast_in_dim3A_1096 : vector<128x1xi32> to vector<1x128x1xi32>
    tpu.vector_store %arg5[%swap3A_1097, %swap3A_1098, %swap3A_1099], %swap3A_1102 {strides = array<i32>} : memref<1x128x32xi32, #tpu.memory_space<vmem>>, vector<1x128x1xi32>,
    %mul3A_1103 = arith.constant 8192 : i32
    %mul3A_1104 = arith.muli %arg0, %mul3A_1103 : i32
    %add3A_1105 = vector.broadcast %mul3A_1104 : i32 to vector<128x1xi32>
    %add3A_1106 = arith.addi %broadcast_in_dim3A_1096, %add3A_1105 : vector<128x1xi32>
    %swap3A_1107 = arith.constant 0 : index
    %swap3A_1108 = arith.constant 0 : index
    %swap3A_1109 = arith.constant 25 : index
    %swap3A_1110 = vector.load %arg6[%swap3A_1107, %swap3A_1108, %swap3A_1109] : memref<1x128x32xi32, #tpu.memory_space<vmem>>, vector<1x128x1xi32>
    %swap3A_1111 = vector.shape_cast %swap3A_1110 : vector<1x128x1xi32> to vector<128x1xi32>
    %swap3A_1112 = vector.shape_cast %add3A_1106 : vector<128x1xi32> to vector<1x128x1xi32>
    tpu.vector_store %arg6[%swap3A_1107, %swap3A_1108, %swap3A_1109], %swap3A_1112 {strides = array<i32>} : memref<1x128x32xi32, #tpu.memory_space<vmem>>, vector<1x128x1xi32>,
    %eq3A_1113 = vector.broadcast %iota3A : vector<1x8192xi32> to vector<128x8192xi32>
    %eq3A_1114 = vector.broadcast %broadcast_in_dim3A_1096 : vector<128x1xi32> to vector<128x8192xi32>
    %eq3A_1115 = arith.cmpi eq, %eq3A_1113, %eq3A_1114 : vector<128x8192xi32>
    %jit3A_1116 = arith.constant 0x7F800000 : f32
    %broadcast_in_dim3A_1117 = vector.broadcast %jit3A_1116 : f32 to vector<128x8192xf32>
    %select_n3A_1118 = arith.select %eq3A_1115, %broadcast_in_dim3A_1117, %get3A_1083 : vector<128x8192xi1>, vector<128x8192xf32>
    %swap3A_1119 = arith.constant 0 : index
    %swap3A_1120 = arith.constant 0 : index
    %swap3A_1121 = vector.load %arg7[%swap3A_1119, %swap3A_1120] : memref<128x8192xf32, #tpu.memory_space<vmem>>, vector<128x8192xf32>
    tpu.vector_store %arg7[%swap3A_1119, %swap3A_1120], %select_n3A_1118 {strides = array<i32>} : memref<128x8192xf32, #tpu.memory_space<vmem>>, vector<128x8192xf32>,
    %get3A_1122 = arith.constant 0 : index
    %get3A_1123 = arith.constant 0 : index
    %get3A_1124 = vector.load %arg7[%get3A_1122, %get3A_1123] : memref<128x8192xf32, #tpu.memory_space<vmem>>, vector<128x8192xf32>
    %reduce_min3A_1125 = arith.constant dense<0x7F800000> : vector<128xf32>
    %reduce_min3A_1126 = vector.multi_reduction <minimumf>, %get3A_1124, %reduce_min3A_1125 [1] : vector<128x8192xf32> to vector<128xf32>
    %broadcast_in_dim3A_1127 = vector.shape_cast %reduce_min3A_1126 : vector<128xf32> to vector<128x1xf32>
    %eq3A_1128 = vector.broadcast %broadcast_in_dim3A_1127 : vector<128x1xf32> to vector<128x8192xf32>
    %eq3A_1129 = arith.cmpf oeq, %get3A_1124, %eq3A_1128 : vector<128x8192xf32>
    %jit3A_1130 = arith.constant 8192 : i32
    %broadcast_in_dim3A_1131 = vector.shape_cast %iota3A : vector<1x8192xi32> to vector<1x8192xi32>
    %broadcast_in_dim3A_1132 = vector.broadcast %broadcast_in_dim3A_1131 : vector<1x8192xi32> to vector<128x8192xi32>
    %broadcast_in_dim3A_1133 = vector.broadcast %jit3A_1130 : i32 to vector<128x8192xi32>
    %select_n3A_1134 = arith.select %eq3A_1129, %broadcast_in_dim3A_1132, %broadcast_in_dim3A_1133 : vector<128x8192xi1>, vector<128x8192xi32>
    %reduce_min3A_1135 = arith.constant dense<2147483647> : vector<128xi32>
    %reduce_min3A_1136 = vector.multi_reduction <minsi>, %select_n3A_1134, %reduce_min3A_1135 [1] : vector<128x8192xi32> to vector<128xi32>
    %broadcast_in_dim3A_1137 = vector.shape_cast %reduce_min3A_1136 : vector<128xi32> to vector<128x1xi32>
    %swap3A_1138 = arith.constant 0 : index
    %swap3A_1139 = arith.constant 0 : index
    %swap3A_1140 = arith.constant 26 : index
    %swap3A_1141 = vector.load %arg5[%swap3A_1138, %swap3A_1139, %swap3A_1140] : memref<1x128x32xi32, #tpu.memory_space<vmem>>, vector<1x128x1xi32>
    %swap3A_1142 = vector.shape_cast %swap3A_1141 : vector<1x128x1xi32> to vector<128x1xi32>
    %swap3A_1143 = vector.shape_cast %broadcast_in_dim3A_1137 : vector<128x1xi32> to vector<1x128x1xi32>
    tpu.vector_store %arg5[%swap3A_1138, %swap3A_1139, %swap3A_1140], %swap3A_1143 {strides = array<i32>} : memref<1x128x32xi32, #tpu.memory_space<vmem>>, vector<1x128x1xi32>,
    %mul3A_1144 = arith.constant 8192 : i32
    %mul3A_1145 = arith.muli %arg0, %mul3A_1144 : i32
    %add3A_1146 = vector.broadcast %mul3A_1145 : i32 to vector<128x1xi32>
    %add3A_1147 = arith.addi %broadcast_in_dim3A_1137, %add3A_1146 : vector<128x1xi32>
    %swap3A_1148 = arith.constant 0 : index
    %swap3A_1149 = arith.constant 0 : index
    %swap3A_1150 = arith.constant 26 : index
    %swap3A_1151 = vector.load %arg6[%swap3A_1148, %swap3A_1149, %swap3A_1150] : memref<1x128x32xi32, #tpu.memory_space<vmem>>, vector<1x128x1xi32>
    %swap3A_1152 = vector.shape_cast %swap3A_1151 : vector<1x128x1xi32> to vector<128x1xi32>
    %swap3A_1153 = vector.shape_cast %add3A_1147 : vector<128x1xi32> to vector<1x128x1xi32>
    tpu.vector_store %arg6[%swap3A_1148, %swap3A_1149, %swap3A_1150], %swap3A_1153 {strides = array<i32>} : memref<1x128x32xi32, #tpu.memory_space<vmem>>, vector<1x128x1xi32>,
    %eq3A_1154 = vector.broadcast %iota3A : vector<1x8192xi32> to vector<128x8192xi32>
    %eq3A_1155 = vector.broadcast %broadcast_in_dim3A_1137 : vector<128x1xi32> to vector<128x8192xi32>
    %eq3A_1156 = arith.cmpi eq, %eq3A_1154, %eq3A_1155 : vector<128x8192xi32>
    %jit3A_1157 = arith.constant 0x7F800000 : f32
    %broadcast_in_dim3A_1158 = vector.broadcast %jit3A_1157 : f32 to vector<128x8192xf32>
    %select_n3A_1159 = arith.select %eq3A_1156, %broadcast_in_dim3A_1158, %get3A_1124 : vector<128x8192xi1>, vector<128x8192xf32>
    %swap3A_1160 = arith.constant 0 : index
    %swap3A_1161 = arith.constant 0 : index
    %swap3A_1162 = vector.load %arg7[%swap3A_1160, %swap3A_1161] : memref<128x8192xf32, #tpu.memory_space<vmem>>, vector<128x8192xf32>
    tpu.vector_store %arg7[%swap3A_1160, %swap3A_1161], %select_n3A_1159 {strides = array<i32>} : memref<128x8192xf32, #tpu.memory_space<vmem>>, vector<128x8192xf32>,
    %get3A_1163 = arith.constant 0 : index
    %get3A_1164 = arith.constant 0 : index
    %get3A_1165 = vector.load %arg7[%get3A_1163, %get3A_1164] : memref<128x8192xf32, #tpu.memory_space<vmem>>, vector<128x8192xf32>
    %reduce_min3A_1166 = arith.constant dense<0x7F800000> : vector<128xf32>
    %reduce_min3A_1167 = vector.multi_reduction <minimumf>, %get3A_1165, %reduce_min3A_1166 [1] : vector<128x8192xf32> to vector<128xf32>
    %broadcast_in_dim3A_1168 = vector.shape_cast %reduce_min3A_1167 : vector<128xf32> to vector<128x1xf32>
    %eq3A_1169 = vector.broadcast %broadcast_in_dim3A_1168 : vector<128x1xf32> to vector<128x8192xf32>
    %eq3A_1170 = arith.cmpf oeq, %get3A_1165, %eq3A_1169 : vector<128x8192xf32>
    %jit3A_1171 = arith.constant 8192 : i32
    %broadcast_in_dim3A_1172 = vector.shape_cast %iota3A : vector<1x8192xi32> to vector<1x8192xi32>
    %broadcast_in_dim3A_1173 = vector.broadcast %broadcast_in_dim3A_1172 : vector<1x8192xi32> to vector<128x8192xi32>
    %broadcast_in_dim3A_1174 = vector.broadcast %jit3A_1171 : i32 to vector<128x8192xi32>
    %select_n3A_1175 = arith.select %eq3A_1170, %broadcast_in_dim3A_1173, %broadcast_in_dim3A_1174 : vector<128x8192xi1>, vector<128x8192xi32>
    %reduce_min3A_1176 = arith.constant dense<2147483647> : vector<128xi32>
    %reduce_min3A_1177 = vector.multi_reduction <minsi>, %select_n3A_1175, %reduce_min3A_1176 [1] : vector<128x8192xi32> to vector<128xi32>
    %broadcast_in_dim3A_1178 = vector.shape_cast %reduce_min3A_1177 : vector<128xi32> to vector<128x1xi32>
    %swap3A_1179 = arith.constant 0 : index
    %swap3A_1180 = arith.constant 0 : index
    %swap3A_1181 = arith.constant 27 : index
    %swap3A_1182 = vector.load %arg5[%swap3A_1179, %swap3A_1180, %swap3A_1181] : memref<1x128x32xi32, #tpu.memory_space<vmem>>, vector<1x128x1xi32>
    %swap3A_1183 = vector.shape_cast %swap3A_1182 : vector<1x128x1xi32> to vector<128x1xi32>
    %swap3A_1184 = vector.shape_cast %broadcast_in_dim3A_1178 : vector<128x1xi32> to vector<1x128x1xi32>
    tpu.vector_store %arg5[%swap3A_1179, %swap3A_1180, %swap3A_1181], %swap3A_1184 {strides = array<i32>} : memref<1x128x32xi32, #tpu.memory_space<vmem>>, vector<1x128x1xi32>,
    %mul3A_1185 = arith.constant 8192 : i32
    %mul3A_1186 = arith.muli %arg0, %mul3A_1185 : i32
    %add3A_1187 = vector.broadcast %mul3A_1186 : i32 to vector<128x1xi32>
    %add3A_1188 = arith.addi %broadcast_in_dim3A_1178, %add3A_1187 : vector<128x1xi32>
    %swap3A_1189 = arith.constant 0 : index
    %swap3A_1190 = arith.constant 0 : index
    %swap3A_1191 = arith.constant 27 : index
    %swap3A_1192 = vector.load %arg6[%swap3A_1189, %swap3A_1190, %swap3A_1191] : memref<1x128x32xi32, #tpu.memory_space<vmem>>, vector<1x128x1xi32>
    %swap3A_1193 = vector.shape_cast %swap3A_1192 : vector<1x128x1xi32> to vector<128x1xi32>
    %swap3A_1194 = vector.shape_cast %add3A_1188 : vector<128x1xi32> to vector<1x128x1xi32>
    tpu.vector_store %arg6[%swap3A_1189, %swap3A_1190, %swap3A_1191], %swap3A_1194 {strides = array<i32>} : memref<1x128x32xi32, #tpu.memory_space<vmem>>, vector<1x128x1xi32>,
    %eq3A_1195 = vector.broadcast %iota3A : vector<1x8192xi32> to vector<128x8192xi32>
    %eq3A_1196 = vector.broadcast %broadcast_in_dim3A_1178 : vector<128x1xi32> to vector<128x8192xi32>
    %eq3A_1197 = arith.cmpi eq, %eq3A_1195, %eq3A_1196 : vector<128x8192xi32>
    %jit3A_1198 = arith.constant 0x7F800000 : f32
    %broadcast_in_dim3A_1199 = vector.broadcast %jit3A_1198 : f32 to vector<128x8192xf32>
    %select_n3A_1200 = arith.select %eq3A_1197, %broadcast_in_dim3A_1199, %get3A_1165 : vector<128x8192xi1>, vector<128x8192xf32>
    %swap3A_1201 = arith.constant 0 : index
    %swap3A_1202 = arith.constant 0 : index
    %swap3A_1203 = vector.load %arg7[%swap3A_1201, %swap3A_1202] : memref<128x8192xf32, #tpu.memory_space<vmem>>, vector<128x8192xf32>
    tpu.vector_store %arg7[%swap3A_1201, %swap3A_1202], %select_n3A_1200 {strides = array<i32>} : memref<128x8192xf32, #tpu.memory_space<vmem>>, vector<128x8192xf32>,
    %get3A_1204 = arith.constant 0 : index
    %get3A_1205 = arith.constant 0 : index
    %get3A_1206 = vector.load %arg7[%get3A_1204, %get3A_1205] : memref<128x8192xf32, #tpu.memory_space<vmem>>, vector<128x8192xf32>
    %reduce_min3A_1207 = arith.constant dense<0x7F800000> : vector<128xf32>
    %reduce_min3A_1208 = vector.multi_reduction <minimumf>, %get3A_1206, %reduce_min3A_1207 [1] : vector<128x8192xf32> to vector<128xf32>
    %broadcast_in_dim3A_1209 = vector.shape_cast %reduce_min3A_1208 : vector<128xf32> to vector<128x1xf32>
    %eq3A_1210 = vector.broadcast %broadcast_in_dim3A_1209 : vector<128x1xf32> to vector<128x8192xf32>
    %eq3A_1211 = arith.cmpf oeq, %get3A_1206, %eq3A_1210 : vector<128x8192xf32>
    %jit3A_1212 = arith.constant 8192 : i32
    %broadcast_in_dim3A_1213 = vector.shape_cast %iota3A : vector<1x8192xi32> to vector<1x8192xi32>
    %broadcast_in_dim3A_1214 = vector.broadcast %broadcast_in_dim3A_1213 : vector<1x8192xi32> to vector<128x8192xi32>
    %broadcast_in_dim3A_1215 = vector.broadcast %jit3A_1212 : i32 to vector<128x8192xi32>
    %select_n3A_1216 = arith.select %eq3A_1211, %broadcast_in_dim3A_1214, %broadcast_in_dim3A_1215 : vector<128x8192xi1>, vector<128x8192xi32>
    %reduce_min3A_1217 = arith.constant dense<2147483647> : vector<128xi32>
    %reduce_min3A_1218 = vector.multi_reduction <minsi>, %select_n3A_1216, %reduce_min3A_1217 [1] : vector<128x8192xi32> to vector<128xi32>
    %broadcast_in_dim3A_1219 = vector.shape_cast %reduce_min3A_1218 : vector<128xi32> to vector<128x1xi32>
    %swap3A_1220 = arith.constant 0 : index
    %swap3A_1221 = arith.constant 0 : index
    %swap3A_1222 = arith.constant 28 : index
    %swap3A_1223 = vector.load %arg5[%swap3A_1220, %swap3A_1221, %swap3A_1222] : memref<1x128x32xi32, #tpu.memory_space<vmem>>, vector<1x128x1xi32>
    %swap3A_1224 = vector.shape_cast %swap3A_1223 : vector<1x128x1xi32> to vector<128x1xi32>
    %swap3A_1225 = vector.shape_cast %broadcast_in_dim3A_1219 : vector<128x1xi32> to vector<1x128x1xi32>
    tpu.vector_store %arg5[%swap3A_1220, %swap3A_1221, %swap3A_1222], %swap3A_1225 {strides = array<i32>} : memref<1x128x32xi32, #tpu.memory_space<vmem>>, vector<1x128x1xi32>,
    %mul3A_1226 = arith.constant 8192 : i32
    %mul3A_1227 = arith.muli %arg0, %mul3A_1226 : i32
    %add3A_1228 = vector.broadcast %mul3A_1227 : i32 to vector<128x1xi32>
    %add3A_1229 = arith.addi %broadcast_in_dim3A_1219, %add3A_1228 : vector<128x1xi32>
    %swap3A_1230 = arith.constant 0 : index
    %swap3A_1231 = arith.constant 0 : index
    %swap3A_1232 = arith.constant 28 : index
    %swap3A_1233 = vector.load %arg6[%swap3A_1230, %swap3A_1231, %swap3A_1232] : memref<1x128x32xi32, #tpu.memory_space<vmem>>, vector<1x128x1xi32>
    %swap3A_1234 = vector.shape_cast %swap3A_1233 : vector<1x128x1xi32> to vector<128x1xi32>
    %swap3A_1235 = vector.shape_cast %add3A_1229 : vector<128x1xi32> to vector<1x128x1xi32>
    tpu.vector_store %arg6[%swap3A_1230, %swap3A_1231, %swap3A_1232], %swap3A_1235 {strides = array<i32>} : memref<1x128x32xi32, #tpu.memory_space<vmem>>, vector<1x128x1xi32>,
    %eq3A_1236 = vector.broadcast %iota3A : vector<1x8192xi32> to vector<128x8192xi32>
    %eq3A_1237 = vector.broadcast %broadcast_in_dim3A_1219 : vector<128x1xi32> to vector<128x8192xi32>
    %eq3A_1238 = arith.cmpi eq, %eq3A_1236, %eq3A_1237 : vector<128x8192xi32>
    %jit3A_1239 = arith.constant 0x7F800000 : f32
    %broadcast_in_dim3A_1240 = vector.broadcast %jit3A_1239 : f32 to vector<128x8192xf32>
    %select_n3A_1241 = arith.select %eq3A_1238, %broadcast_in_dim3A_1240, %get3A_1206 : vector<128x8192xi1>, vector<128x8192xf32>
    %swap3A_1242 = arith.constant 0 : index
    %swap3A_1243 = arith.constant 0 : index
    %swap3A_1244 = vector.load %arg7[%swap3A_1242, %swap3A_1243] : memref<128x8192xf32, #tpu.memory_space<vmem>>, vector<128x8192xf32>
    tpu.vector_store %arg7[%swap3A_1242, %swap3A_1243], %select_n3A_1241 {strides = array<i32>} : memref<128x8192xf32, #tpu.memory_space<vmem>>, vector<128x8192xf32>,
    %get3A_1245 = arith.constant 0 : index
    %get3A_1246 = arith.constant 0 : index
    %get3A_1247 = vector.load %arg7[%get3A_1245, %get3A_1246] : memref<128x8192xf32, #tpu.memory_space<vmem>>, vector<128x8192xf32>
    %reduce_min3A_1248 = arith.constant dense<0x7F800000> : vector<128xf32>
    %reduce_min3A_1249 = vector.multi_reduction <minimumf>, %get3A_1247, %reduce_min3A_1248 [1] : vector<128x8192xf32> to vector<128xf32>
    %broadcast_in_dim3A_1250 = vector.shape_cast %reduce_min3A_1249 : vector<128xf32> to vector<128x1xf32>
    %eq3A_1251 = vector.broadcast %broadcast_in_dim3A_1250 : vector<128x1xf32> to vector<128x8192xf32>
    %eq3A_1252 = arith.cmpf oeq, %get3A_1247, %eq3A_1251 : vector<128x8192xf32>
    %jit3A_1253 = arith.constant 8192 : i32
    %broadcast_in_dim3A_1254 = vector.shape_cast %iota3A : vector<1x8192xi32> to vector<1x8192xi32>
    %broadcast_in_dim3A_1255 = vector.broadcast %broadcast_in_dim3A_1254 : vector<1x8192xi32> to vector<128x8192xi32>
    %broadcast_in_dim3A_1256 = vector.broadcast %jit3A_1253 : i32 to vector<128x8192xi32>
    %select_n3A_1257 = arith.select %eq3A_1252, %broadcast_in_dim3A_1255, %broadcast_in_dim3A_1256 : vector<128x8192xi1>, vector<128x8192xi32>
    %reduce_min3A_1258 = arith.constant dense<2147483647> : vector<128xi32>
    %reduce_min3A_1259 = vector.multi_reduction <minsi>, %select_n3A_1257, %reduce_min3A_1258 [1] : vector<128x8192xi32> to vector<128xi32>
    %broadcast_in_dim3A_1260 = vector.shape_cast %reduce_min3A_1259 : vector<128xi32> to vector<128x1xi32>
    %swap3A_1261 = arith.constant 0 : index
    %swap3A_1262 = arith.constant 0 : index
    %swap3A_1263 = arith.constant 29 : index
    %swap3A_1264 = vector.load %arg5[%swap3A_1261, %swap3A_1262, %swap3A_1263] : memref<1x128x32xi32, #tpu.memory_space<vmem>>, vector<1x128x1xi32>
    %swap3A_1265 = vector.shape_cast %swap3A_1264 : vector<1x128x1xi32> to vector<128x1xi32>
    %swap3A_1266 = vector.shape_cast %broadcast_in_dim3A_1260 : vector<128x1xi32> to vector<1x128x1xi32>
    tpu.vector_store %arg5[%swap3A_1261, %swap3A_1262, %swap3A_1263], %swap3A_1266 {strides = array<i32>} : memref<1x128x32xi32, #tpu.memory_space<vmem>>, vector<1x128x1xi32>,
    %mul3A_1267 = arith.constant 8192 : i32
    %mul3A_1268 = arith.muli %arg0, %mul3A_1267 : i32
    %add3A_1269 = vector.broadcast %mul3A_1268 : i32 to vector<128x1xi32>
    %add3A_1270 = arith.addi %broadcast_in_dim3A_1260, %add3A_1269 : vector<128x1xi32>
    %swap3A_1271 = arith.constant 0 : index
    %swap3A_1272 = arith.constant 0 : index
    %swap3A_1273 = arith.constant 29 : index
    %swap3A_1274 = vector.load %arg6[%swap3A_1271, %swap3A_1272, %swap3A_1273] : memref<1x128x32xi32, #tpu.memory_space<vmem>>, vector<1x128x1xi32>
    %swap3A_1275 = vector.shape_cast %swap3A_1274 : vector<1x128x1xi32> to vector<128x1xi32>
    %swap3A_1276 = vector.shape_cast %add3A_1270 : vector<128x1xi32> to vector<1x128x1xi32>
    tpu.vector_store %arg6[%swap3A_1271, %swap3A_1272, %swap3A_1273], %swap3A_1276 {strides = array<i32>} : memref<1x128x32xi32, #tpu.memory_space<vmem>>, vector<1x128x1xi32>,
    %eq3A_1277 = vector.broadcast %iota3A : vector<1x8192xi32> to vector<128x8192xi32>
    %eq3A_1278 = vector.broadcast %broadcast_in_dim3A_1260 : vector<128x1xi32> to vector<128x8192xi32>
    %eq3A_1279 = arith.cmpi eq, %eq3A_1277, %eq3A_1278 : vector<128x8192xi32>
    %jit3A_1280 = arith.constant 0x7F800000 : f32
    %broadcast_in_dim3A_1281 = vector.broadcast %jit3A_1280 : f32 to vector<128x8192xf32>
    %select_n3A_1282 = arith.select %eq3A_1279, %broadcast_in_dim3A_1281, %get3A_1247 : vector<128x8192xi1>, vector<128x8192xf32>
    %swap3A_1283 = arith.constant 0 : index
    %swap3A_1284 = arith.constant 0 : index
    %swap3A_1285 = vector.load %arg7[%swap3A_1283, %swap3A_1284] : memref<128x8192xf32, #tpu.memory_space<vmem>>, vector<128x8192xf32>
    tpu.vector_store %arg7[%swap3A_1283, %swap3A_1284], %select_n3A_1282 {strides = array<i32>} : memref<128x8192xf32, #tpu.memory_space<vmem>>, vector<128x8192xf32>,
    %get3A_1286 = arith.constant 0 : index
    %get3A_1287 = arith.constant 0 : index
    %get3A_1288 = vector.load %arg7[%get3A_1286, %get3A_1287] : memref<128x8192xf32, #tpu.memory_space<vmem>>, vector<128x8192xf32>
    %reduce_min3A_1289 = arith.constant dense<0x7F800000> : vector<128xf32>
    %reduce_min3A_1290 = vector.multi_reduction <minimumf>, %get3A_1288, %reduce_min3A_1289 [1] : vector<128x8192xf32> to vector<128xf32>
    %broadcast_in_dim3A_1291 = vector.shape_cast %reduce_min3A_1290 : vector<128xf32> to vector<128x1xf32>
    %eq3A_1292 = vector.broadcast %broadcast_in_dim3A_1291 : vector<128x1xf32> to vector<128x8192xf32>
    %eq3A_1293 = arith.cmpf oeq, %get3A_1288, %eq3A_1292 : vector<128x8192xf32>
    %jit3A_1294 = arith.constant 8192 : i32
    %broadcast_in_dim3A_1295 = vector.shape_cast %iota3A : vector<1x8192xi32> to vector<1x8192xi32>
    %broadcast_in_dim3A_1296 = vector.broadcast %broadcast_in_dim3A_1295 : vector<1x8192xi32> to vector<128x8192xi32>
    %broadcast_in_dim3A_1297 = vector.broadcast %jit3A_1294 : i32 to vector<128x8192xi32>
    %select_n3A_1298 = arith.select %eq3A_1293, %broadcast_in_dim3A_1296, %broadcast_in_dim3A_1297 : vector<128x8192xi1>, vector<128x8192xi32>
    %reduce_min3A_1299 = arith.constant dense<2147483647> : vector<128xi32>
    %reduce_min3A_1300 = vector.multi_reduction <minsi>, %select_n3A_1298, %reduce_min3A_1299 [1] : vector<128x8192xi32> to vector<128xi32>
    %broadcast_in_dim3A_1301 = vector.shape_cast %reduce_min3A_1300 : vector<128xi32> to vector<128x1xi32>
    %swap3A_1302 = arith.constant 0 : index
    %swap3A_1303 = arith.constant 0 : index
    %swap3A_1304 = arith.constant 30 : index
    %swap3A_1305 = vector.load %arg5[%swap3A_1302, %swap3A_1303, %swap3A_1304] : memref<1x128x32xi32, #tpu.memory_space<vmem>>, vector<1x128x1xi32>
    %swap3A_1306 = vector.shape_cast %swap3A_1305 : vector<1x128x1xi32> to vector<128x1xi32>
    %swap3A_1307 = vector.shape_cast %broadcast_in_dim3A_1301 : vector<128x1xi32> to vector<1x128x1xi32>
    tpu.vector_store %arg5[%swap3A_1302, %swap3A_1303, %swap3A_1304], %swap3A_1307 {strides = array<i32>} : memref<1x128x32xi32, #tpu.memory_space<vmem>>, vector<1x128x1xi32>,
    %mul3A_1308 = arith.constant 8192 : i32
    %mul3A_1309 = arith.muli %arg0, %mul3A_1308 : i32
    %add3A_1310 = vector.broadcast %mul3A_1309 : i32 to vector<128x1xi32>
    %add3A_1311 = arith.addi %broadcast_in_dim3A_1301, %add3A_1310 : vector<128x1xi32>
    %swap3A_1312 = arith.constant 0 : index
    %swap3A_1313 = arith.constant 0 : index
    %swap3A_1314 = arith.constant 30 : index
    %swap3A_1315 = vector.load %arg6[%swap3A_1312, %swap3A_1313, %swap3A_1314] : memref<1x128x32xi32, #tpu.memory_space<vmem>>, vector<1x128x1xi32>
    %swap3A_1316 = vector.shape_cast %swap3A_1315 : vector<1x128x1xi32> to vector<128x1xi32>
    %swap3A_1317 = vector.shape_cast %add3A_1311 : vector<128x1xi32> to vector<1x128x1xi32>
    tpu.vector_store %arg6[%swap3A_1312, %swap3A_1313, %swap3A_1314], %swap3A_1317 {strides = array<i32>} : memref<1x128x32xi32, #tpu.memory_space<vmem>>, vector<1x128x1xi32>,
    %eq3A_1318 = vector.broadcast %iota3A : vector<1x8192xi32> to vector<128x8192xi32>
    %eq3A_1319 = vector.broadcast %broadcast_in_dim3A_1301 : vector<128x1xi32> to vector<128x8192xi32>
    %eq3A_1320 = arith.cmpi eq, %eq3A_1318, %eq3A_1319 : vector<128x8192xi32>
    %jit3A_1321 = arith.constant 0x7F800000 : f32
    %broadcast_in_dim3A_1322 = vector.broadcast %jit3A_1321 : f32 to vector<128x8192xf32>
    %select_n3A_1323 = arith.select %eq3A_1320, %broadcast_in_dim3A_1322, %get3A_1288 : vector<128x8192xi1>, vector<128x8192xf32>
    %swap3A_1324 = arith.constant 0 : index
    %swap3A_1325 = arith.constant 0 : index
    %swap3A_1326 = vector.load %arg7[%swap3A_1324, %swap3A_1325] : memref<128x8192xf32, #tpu.memory_space<vmem>>, vector<128x8192xf32>
    tpu.vector_store %arg7[%swap3A_1324, %swap3A_1325], %select_n3A_1323 {strides = array<i32>} : memref<128x8192xf32, #tpu.memory_space<vmem>>, vector<128x8192xf32>,
    %get3A_1327 = arith.constant 0 : index
    %get3A_1328 = arith.constant 0 : index
    %get3A_1329 = vector.load %arg7[%get3A_1327, %get3A_1328] : memref<128x8192xf32, #tpu.memory_space<vmem>>, vector<128x8192xf32>
    %reduce_min3A_1330 = arith.constant dense<0x7F800000> : vector<128xf32>
    %reduce_min3A_1331 = vector.multi_reduction <minimumf>, %get3A_1329, %reduce_min3A_1330 [1] : vector<128x8192xf32> to vector<128xf32>
    %broadcast_in_dim3A_1332 = vector.shape_cast %reduce_min3A_1331 : vector<128xf32> to vector<128x1xf32>
    %eq3A_1333 = vector.broadcast %broadcast_in_dim3A_1332 : vector<128x1xf32> to vector<128x8192xf32>
    %eq3A_1334 = arith.cmpf oeq, %get3A_1329, %eq3A_1333 : vector<128x8192xf32>
    %jit3A_1335 = arith.constant 8192 : i32
    %broadcast_in_dim3A_1336 = vector.shape_cast %iota3A : vector<1x8192xi32> to vector<1x8192xi32>
    %broadcast_in_dim3A_1337 = vector.broadcast %broadcast_in_dim3A_1336 : vector<1x8192xi32> to vector<128x8192xi32>
    %broadcast_in_dim3A_1338 = vector.broadcast %jit3A_1335 : i32 to vector<128x8192xi32>
    %select_n3A_1339 = arith.select %eq3A_1334, %broadcast_in_dim3A_1337, %broadcast_in_dim3A_1338 : vector<128x8192xi1>, vector<128x8192xi32>
    %reduce_min3A_1340 = arith.constant dense<2147483647> : vector<128xi32>
    %reduce_min3A_1341 = vector.multi_reduction <minsi>, %select_n3A_1339, %reduce_min3A_1340 [1] : vector<128x8192xi32> to vector<128xi32>
    %broadcast_in_dim3A_1342 = vector.shape_cast %reduce_min3A_1341 : vector<128xi32> to vector<128x1xi32>
    %swap3A_1343 = arith.constant 0 : index
    %swap3A_1344 = arith.constant 0 : index
    %swap3A_1345 = arith.constant 31 : index
    %swap3A_1346 = vector.load %arg5[%swap3A_1343, %swap3A_1344, %swap3A_1345] : memref<1x128x32xi32, #tpu.memory_space<vmem>>, vector<1x128x1xi32>
    %swap3A_1347 = vector.shape_cast %swap3A_1346 : vector<1x128x1xi32> to vector<128x1xi32>
    %swap3A_1348 = vector.shape_cast %broadcast_in_dim3A_1342 : vector<128x1xi32> to vector<1x128x1xi32>
    tpu.vector_store %arg5[%swap3A_1343, %swap3A_1344, %swap3A_1345], %swap3A_1348 {strides = array<i32>} : memref<1x128x32xi32, #tpu.memory_space<vmem>>, vector<1x128x1xi32>,
    %mul3A_1349 = arith.constant 8192 : i32
    %mul3A_1350 = arith.muli %arg0, %mul3A_1349 : i32
    %add3A_1351 = vector.broadcast %mul3A_1350 : i32 to vector<128x1xi32>
    %add3A_1352 = arith.addi %broadcast_in_dim3A_1342, %add3A_1351 : vector<128x1xi32>
    %swap3A_1353 = arith.constant 0 : index
    %swap3A_1354 = arith.constant 0 : index
    %swap3A_1355 = arith.constant 31 : index
    %swap3A_1356 = vector.load %arg6[%swap3A_1353, %swap3A_1354, %swap3A_1355] : memref<1x128x32xi32, #tpu.memory_space<vmem>>, vector<1x128x1xi32>
    %swap3A_1357 = vector.shape_cast %swap3A_1356 : vector<1x128x1xi32> to vector<128x1xi32>
    %swap3A_1358 = vector.shape_cast %add3A_1352 : vector<128x1xi32> to vector<1x128x1xi32>
    tpu.vector_store %arg6[%swap3A_1353, %swap3A_1354, %swap3A_1355], %swap3A_1358 {strides = array<i32>} : memref<1x128x32xi32, #tpu.memory_space<vmem>>, vector<1x128x1xi32>,
    %eq3A_1359 = vector.broadcast %iota3A : vector<1x8192xi32> to vector<128x8192xi32>
    %eq3A_1360 = vector.broadcast %broadcast_in_dim3A_1342 : vector<128x1xi32> to vector<128x8192xi32>
    %eq3A_1361 = arith.cmpi eq, %eq3A_1359, %eq3A_1360 : vector<128x8192xi32>
    %jit3A_1362 = arith.constant 0x7F800000 : f32
    %broadcast_in_dim3A_1363 = vector.broadcast %jit3A_1362 : f32 to vector<128x8192xf32>
    %select_n3A_1364 = arith.select %eq3A_1361, %broadcast_in_dim3A_1363, %get3A_1329 : vector<128x8192xi1>, vector<128x8192xf32>
    %swap3A_1365 = arith.constant 0 : index
    %swap3A_1366 = arith.constant 0 : index
    %swap3A_1367 = vector.load %arg7[%swap3A_1365, %swap3A_1366] : memref<128x8192xf32, #tpu.memory_space<vmem>>, vector<128x8192xf32>
    tpu.vector_store %arg7[%swap3A_1365, %swap3A_1366], %select_n3A_1364 {strides = array<i32>} : memref<128x8192xf32, #tpu.memory_space<vmem>>, vector<128x8192xf32>,
    return
  }
  func.func @transform_0(%arg0: i32) -> (i32, i32, i32) {
    %c0_i32 = arith.constant 0 : i32
    %c0_i32_0 = arith.constant 0 : i32
    %c0_i32_1 = arith.constant 0 : i32
    return %arg0, %c0_i32, %c0_i32_0 : i32, i32, i32
  }
  func.func @transform_1(%arg0: i32) -> (i32, i32, i32) {
    %c0_i32 = arith.constant 0 : i32
    %c0_i32_0 = arith.constant 0 : i32
    %c0_i32_1 = arith.constant 0 : i32
    return %arg0, %c0_i32, %c0_i32_0 : i32, i32, i32
  }
  func.func @transform_2(%arg0: i32) -> (i32, i32, i32) {
    %c0_i32 = arith.constant 0 : i32
    %c0_i32_0 = arith.constant 0 : i32
    %c0_i32_1 = arith.constant 0 : i32
    return %arg0, %c0_i32, %c0_i32_0 : i32, i32, i32
  }
  func.func @transform_3(%arg0: i32) -> (i32, i32, i32) {
    %c0_i32 = arith.constant 0 : i32
    %c0_i32_0 = arith.constant 0 : i32
    %c0_i32_1 = arith.constant 0 : i32
    return %arg0, %c0_i32, %c0_i32_0 : i32, i32, i32
  }
  func.func @transform_4(%arg0: i32) -> (i32, i32, i32) {
    %c0_i32 = arith.constant 0 : i32
    %c0_i32_0 = arith.constant 0 : i32
    %c0_i32_1 = arith.constant 0 : i32
    return %arg0, %c0_i32, %c0_i32_0 : i32, i32, i32
  }
  func.func @transform_5(%arg0: i32) -> (i32, i32, i32) {
    %c0_i32 = arith.constant 0 : i32
    %c0_i32_0 = arith.constant 0 : i32
    %c0_i32_1 = arith.constant 0 : i32
    return %arg0, %c0_i32, %c0_i32_0 : i32, i32, i32
  }
}

</mosaic_0001>

<sc_bundles>
// kernel: kernel.5.cloned.1.call-start
scs
__scs_entry_jumppad:
0x0: {  	(pc) =	sbr.rel $0x88, $3  }
0x1: {  	(tag) =	ssettag $0x0;
	lr =	simm.s32 $0x1  }
0x2: {  	[smem:$0x3FA0] =	sst lr;
	_ =	strace $0xD0000000  }
0x3: {  	_ = 	snop  }
0x4: {  	_ = 	snop  }
0x5: {  	_ = 	snop  }
0x6: {  	_ = 	snop  }
0x7: {  	_ = 	snop  }
__scs_overlays_trampoline_lowered:
0x8: {  	[smem:$0x3FAF] =	sst s0  }
0x9: {  	[smem:$0x3FB0] =	sst s1  }
0xa: {  	[smem:$0x3FB1] =	sst s2  }
0xb: {  	[smem:$0x3FB2] =	sst s3  }
0xc: {  	[smem:$0x3FB3] =	sst s4  }
0xd: {  	[smem:$0x3FB4] =	sst s5  }
0xe: {  	[smem:$0x3FB5] =	sst s6  }
0xf: {  	[smem:$0x3FB6] =	sst s7  }
0x10: {  	[smem:$0x3FB7] =	sst s8  }
0x11: {  	[smem:$0x3FB8] =	sst s9;
	s0 =	simm.s32 @!p0 $0x0  }
0x12: {  	s1 =	sld [smem:$0x3F9E];
	s0 =	simm.s32 @p0 $0x1  }
0x13: {  	[smem:$0x3FB9] =	sst s0;
	s0 =	simm.s32 @!p1 $0x0  }
0x14: {  	s2 =	sld [smem:$0x3F9D];
	s0 =	simm.s32 @p1 $0x1  }
0x15: {  	[smem:$0x3FBA] =	sst s0;
	s0 =	simm.s32 @!p2 $0x0  }
0x16: {  	s3 =	sld [smem:$0x3FDB];
	s0 =	simm.s32 @p2 $0x1  }
0x17: {  	s4 =	simm.s32 $0x1BF5;
	[smem:$0x3FBC] =	sst s0  }
0x18: {  	s0 =	sld [smem:$0x3F9F];
	_ =	swait.ge [sflag:s4], $0x0  }
0x19: {  	s7 =	sld [smem:$0x3FA0]  }
0x1a: {  	s8 =	sadd.s32 $0xFFFFE003, lr  }
0x1b: {  	s9 =	sadd.s32 $0xFFFFFEF7, lr;
	s5 =	simm.s32 $0xFFFFFFFF;
	p2 =	slt.u32 s8, $0xFFFFF086  }
0x1c: {  	p1 =	slt.u32 s9, $0xF7A;
	s5 =	simm.s32 @!p2 $0x0  }
0x1d: {  	s5 =	simm.s32 @p1 $0x1;
	p0 =	seq.s32 s7, s2  }
0x1e: {  	s7 =	smul.u32 @!p0 $0xF7A, s2;
	p2 =	seq.s32 @!p0 s5, $0x0  }
0x1f: {  	s9 =	smul.u32 $0xF7A, s1;
	s8 =	simm.s32 @!p0 $0x1BF5;
	p2 =	por !p2, p0  }
0x20: {  	[sflag:s8] =	ssyncset.s32 @!p0 $0xFFFFF086;
	s6 =	sadd.s32 @!p0 s3, s7;
	s7 =	simm.s32 @!p0 $0x108  }
0x21: {  	s3 =	sadd.s32 s3, s9;
	s6 =	sadd.s32 @!p0 $0x88, s6;
	s7 =	simm.s32 @p2 $0x1082  }
0x22: {  	[simem:s7], [sflag:s8] =	dma.local @!p0 [hbm:s6], $0xF7A  }
0x23: {  	s9 =	sor.u32 $0xD0000000, s2;
	s6 =	simm.s32 $0x108;
	_ =	swait.ge @!p0 [sflag:s8], $0x0  }
0x24: {  	s3 =	sadd.s32 $0x88, s3;
	s6 =	simm.s32 @!p1 $0x1082;
	[sflag:s4] =	ssyncset.s32 $0xFFFFF086  }
0x25: {  	[simem:s6], [sflag:s4] =	dma.local [hbm:s3], $0xF7A  }
0x26: {  	[smem:$0x3FA0] =	sst s1;
	(tag) =	ssettag s2;
	_ =	strace s9  }
0x27: {  	s1 =	sld [smem:$0x3FB0]  }
0x28: {  	s2 =	sld [smem:$0x3FB1]  }
0x29: {  	s4 =	sld [smem:$0x3FB3]  }
0x2a: {  	p0 =	seq.s32 s5, $0x0;
	s5 =	sld [smem:$0x3FB4]  }
0x2b: {  	s6 =	sld [smem:$0x3FB5]  }
0x2c: {  	s7 =	sld [smem:$0x3FB6]  }
0x2d: {  	s3 =	simm.s32 $0x108;
	s8 =	sld [smem:$0x3FB7]  }
0x2e: {  	s3 =	simm.s32 @!p0 $0x1082;
	s9 =	sld [smem:$0x3FB8]  }
0x2f: {  	lr =	sadd.s32 s0, s3;
	s0 =	sld [smem:$0x3FAF]  }
0x30: {  	s3 =	sld [smem:$0x3FB2]  }
0x31: {  	[smem:$0x3FBB] =	sst s10  }
0x32: {  	s10 =	sld [smem:$0x3FB9];
	_ =	sdelay $0x3  }
0x33: {  	p0 =	seq.s32 s10, $0x1;
	s10 =	sld [smem:$0x3FBB];
	_ =	sdelay $0x3  }
0x34: {  	[smem:$0x3FBB] =	sst s10  }
0x35: {  	s10 =	sld [smem:$0x3FBA];
	_ =	sdelay $0x3  }
0x36: {  	p1 =	seq.s32 s10, $0x1;
	s10 =	sld [smem:$0x3FBB];
	_ =	sdelay $0x3  }
0x37: {  	[smem:$0x3FBB] =	sst s10  }
0x38: {  	s10 =	sld [smem:$0x3FBC]  }
0x39: {  	_ = 	snop;
	(pc) =	sbr.ind lr, $3  }
0x3a: {  	_ = 	snop  }
0x3b: {  	_ = 	snop  }
0x3c: {  	p2 =	seq.s32 s10, $0x1;
	s10 =	sld [smem:$0x3FBB]  }
0x3d: {  	_ =	shalt  }
0x3e: {  	_ =	shalt  }
0x3f: {  	_ =	shalt  }
0x40: {  	_ =	shalt  }
0x41: {  	_ =	shalt  }
0x42: {  	_ =	shalt  }
0x43: {  	_ =	shalt  }
0x44: {  	_ =	shalt  }
0x45: {  	_ =	shalt  }
0x46: {  	_ =	shalt  }
0x47: {  	_ =	shalt  }
0x48: {  	_ =	shalt  }
0x49: {  	_ =	shalt  }
0x4a: {  	_ =	shalt  }
0x4b: {  	_ =	shalt  }
0x4c: {  	_ =	shalt  }
0x4d: {  	_ =	shalt  }
0x4e: {  	_ =	shalt  }
0x4f: {  	_ =	shalt  }
0x50: {  	_ =	shalt  }
0x51: {  	_ =	shalt  }
0x52: {  	_ =	shalt  }
0x53: {  	_ =	shalt  }
0x54: {  	_ =	shalt  }
0x55: {  	_ =	shalt  }
0x56: {  	_ =	shalt  }
0x57: {  	_ =	shalt  }
0x58: {  	_ =	shalt  }
0x59: {  	_ =	shalt  }
0x5a: {  	_ =	shalt  }
0x5b: {  	_ =	shalt  }
0x5c: {  	_ =	shalt  }
0x5d: {  	_ =	shalt  }
0x5e: {  	_ =	shalt  }
0x5f: {  	_ =	shalt  }
0x60: {  	_ =	shalt  }
0x61: {  	_ =	shalt  }
0x62: {  	_ =	shalt  }
0x63: {  	_ =	shalt  }
0x64: {  	_ =	shalt  }
0x65: {  	_ =	shalt  }
0x66: {  	_ =	shalt  }
0x67: {  	_ =	shalt  }
0x68: {  	_ =	shalt  }
0x69: {  	_ =	shalt  }
0x6a: {  	_ =	shalt  }
0x6b: {  	_ =	shalt  }
0x6c: {  	_ =	shalt  }
0x6d: {  	_ =	shalt  }
0x6e: {  	_ =	shalt  }
0x6f: {  	_ =	shalt  }
0x70: {  	_ =	shalt  }
0x71: {  	_ =	shalt  }
0x72: {  	_ =	shalt  }
0x73: {  	_ =	shalt  }
0x74: {  	_ =	shalt  }
0x75: {  	_ =	shalt  }
0x76: {  	_ =	shalt  }
0x77: {  	_ =	shalt  }
0x78: {  	_ =	shalt  }
0x79: {  	_ =	shalt  }
0x7a: {  	_ =	shalt  }
0x7b: {  	_ =	shalt  }
0x7c: {  	_ =	shalt  }
0x7d: {  	_ =	shalt  }
0x7e: {  	_ =	shalt  }
0x7f: {  	_ =	shalt  }
0x80: {  	_ =	shalt  }
0x81: {  	_ =	shalt  }
0x82: {  	_ =	shalt  }
0x83: {  	_ =	shalt  }
0x84: {  	_ =	shalt  }
0x85: {  	_ =	shalt  }
0x86: {  	_ =	shalt  }
0x87: {  	_ =	shalt  }
.Lfunc_end0:
.L_simem_size_0:
called_computation_lowered:
.L_overlay_start_0:
0x88: {  	s2 =	sld [smem:$0x3FD9]  }
0x89: {  	s3 =	sld [smem:$0x3FFE];
	_ =	sdelay $0x1  }
0x8a: {  	s1 =	srdreg.scid  }
0x8b: {  	s0 =	sand.u32 $0x1, s1  }
0x8c: {  	s14 =	sshll.u32 s0, $0xA;
	s2 =	sadd.s32 s3, s2  }
0x8d: {  	s2 =	sadd.s32 s2, s14  }
0x8e: {  	[smem:$0x3FC7] =	sst s2  }
0x8f: {  	_ = 	snop  }
0x90: {  	s2 =	sld [smem:$0x3FD0];
	_ =	sdelay $0x2  }
0x91: {  	s15 =	simm.s32 $0xA;
	s4 =	simm.s32 $0x10  }
0x92: {  	[smem:s4], [sflag:s15] =	dma.local [hbm:s2], $0x1  }
0x93: {  	_ =	swait.eq [sflag:s15], $0x1  }
0x94: {  	[sflag:s15] =	ssyncset.done $0x0  }
0x95: {  	[sflag:s15] =	ssyncadd.s32 $0xFFFFFFFF  }
0x96: {  	s16 =	sld [smem:$0x10];
	(tm) =	ssettm $0x1  }
0x97: {  	s17 =	sld [smem:$0x3FFB];
	_ =	sdelay $0x3  }
0x98: {  	_ =	strace s17  }
0x99: {  	s3 =	sld [smem:$0x3FFC];
	_ =	sdelay $0x3  }
0x9a: {  	_ =	strace s3  }
0x9b: {  	s3 =	sld [smem:$0x3FFD];
	_ =	sdelay $0x3  }
0x9c: {  	_ =	strace s3  }
0x9d: {  	_ =	strace $0x8FFFFFFF  }
0x9e: {  	s18 =	sld [smem:$0x3FDB];
	_ =	sdelay $0x1  }
0x9f: {  	s19 =	simm.s32 $_scs_section_size  }
0xa0: {  	s5 =	simm.s32 $_size__tile_overlayer_lowered;
	s6 =	simm.s32 $_tile_overlayer_lowered  }
0xa1: {  	s22 =	simm.s32 $0x1BFF;
	s21 =	sshll.u32 s6, $0x1;
	s3 =	sadd.s32 s19, s18  }
0xa2: {  	s7 =	simm.s32 $0x0;
	s20 =	sshll.u32 s5, $0x1;
	s5 =	sadd.s32 s21, s3  }
0xa3: {  	[timem:s7], [sflag:s22] =	dma.local [hbm:s5], s20  }
0xa4: {  	_ =	swait.ge [sflag:s22], s20  }
0xa5: {  	s4 =	ssub.s32 $0x0, s20;
	[sflag:s22] =	ssyncset.done $0x0  }
0xa6: {  	[sflag:s22] =	ssyncadd.s32 s4;
	_ =	sdelay $0x1  }
0xa7: {  	s23 =	simm.s32 $0x1B8B  }
0xa8: {  	_ =	swait.ge [sflag:s23], $0x1  }
0xa9: {  	[sflag:s23] =	ssyncset.done $0x0  }
0xaa: {  	s25 =	simm.s32 $0x1B8E;
	s24 =	sld [smem:$0x3FFE];
	[sflag:s23] =	ssyncadd.s32 $0xFFFFFFFF  }
0xab: {  	s26 =	simm.s32 $execute0_lowered;
	[smem:$0x3FD2] =	sst s25  }
0xac: {  	s5 =	sshll.u32 s26, $0x1;
	_ =	strace $0x80000046;
	[dreg:$0x1] =	wrdreg $0xFFFFFFFF  }
0xad: {  	s28 =	simm.s32 $_size_execute0_lowered;
	s3 =	sadd.s32 s3, s5;
	[dreg:$0x0] =	wrdreg $0x0  }
0xae: {  	s5 =	sshll.u32 s28, $0x1;
	[dreg:$0x2] =	wrdreg s3  }
0xaf: {  	[dreg:$0x3] =	wrdreg s5  }
0xb0: {  	[dreg:$0x4] =	wrdreg $0xC0  }
0xb1: {  	_ =	task [dreg:s7], $0x5FFFF  }
0xb2: {  	[dreg:$0x1] =	wrdreg $0xFFFFFFFF  }
0xb3: {  	[dreg:$0x0] =	wrdreg $0x60  }
0xb4: {  	[dreg:$0x2] =	wrdreg s16  }
0xb5: {  	[dreg:$0x3] =	wrdreg s24  }
0xb6: {  	[dreg:$0x4] =	wrdreg $0x9  }
0xb7: {  	_ =	task.clear_ibuf [dreg:s7], $0x5FFFF;
	_ =	strace $0x90000046  }
0xb8: {  	s29 =	simm.s32 $0x9;
	_ =	strace $0x80000048  }
0xb9: {  	_ =	swait.ge [sflag:s29], $0x1  }
0xba: {  	[sflag:s29] =	ssyncadd.s32 $0xFFFFFFFF  }
0xbb: {  	_ =	strace $0x90000048  }
0xbc: {  	_ =	sfence  }
0xbd: {  	s30 =	sld [smem:$0x0];
	_ =	sdelay $0x2  }
0xbe: {  	s31 =	sshll.u32 s1, $0xD;
	s1 =	sshrl.u32 s1, $0x2  }
0xbf: {  	s3 =	sand.u32 $0x4000, s31;
	s1 =	sadd.s32 s1, s30  }
0xc0: {  	s0 =	sor.u32 s3, s0;
	s1 =	sshll.u32 s1, $0x11  }
0xc1: {  	s0 =	sor.u32 s1, s0  }
0xc2: {  	s0 =	sadd.s32 $0x8F2B, s0  }
0xc3: {  	[sflag:s0] =	ssyncadd.remote.s32 $0x1  }
0xc4: {  	_ =	sfence.sel $0xFFFF  }
0xc5: {  	[dreg:$0x0] =	wrdreg $0xFFFFFFFF;
	(pc) =	sbr.abs _section_cstart, $3  }
0xc6: {  	[dreg:$0x1] =	wrdreg $0xFFFFFFFF  }
0xc7: {  	_ =	task.clear_ibuf [dreg:s7], $0x2FFFF;
	_ =	strace $0x9FFFFFFF  }
0xc8: {  	(tm) =	ssettm $0x7FFFFFFF  }
0xc9: {  	_ =	shalt  }
tec
execute0_lowered:
.L_overlay_start_1:
0x0: {  	(tag) =	ssettag $0x1  }
0x1: {  	s1 =	rddreg [dreg:$0x0]  }
0x2: {  	s9 =	rddreg [dreg:$0x1]  }
0x3: {  	s0 =	rddreg [dreg:$0x2]  }
0x4: {  	s2 =	simm.s32 $0x0;
	s7 =	srdreg.scid;
	s3 =	stileid.u32  }
0x5: {  	s15 =	simm.s32 $0x1;
	s16 =	simm.s32 $0x800;
	s17 =	simm.s32 $0x1000  }
0x6: {  	s18 =	simm.s32 $0x1800;
	s19 =	simm.s32 $0x2000;
	s20 =	simm.s32 $0x2800  }
0x7: {  	s21 =	simm.s32 $0x3000;
	s22 =	simm.s32 $0x3800;
	s23 =	simm.s32 $0x0  }
0x8: {  	[smem:$0x7FF] =	sst s2;
	s4 =	sadd.s32 $0x6A00, s9;
	s5 =	sadd.s32 $0x2A00, s9  }
0x9: {  	s6 =	sadd.s32 $0xAE00, s9;
	s7 =	sand.u32 $0x1, s7;
	s8 =	sshll.u32 s3, $0x9  }
0xa: {  	_ =	strace $0x80000047;
	s10 =	sshll.u32 s7, $0x8;
	s11 =	ssub.s32 $0x2, s7  }
0xb: {  	s7 =	sadd.s32 $0xAC00, s9;
	s10 =	sor.u32 s10, s8;
	s12 =	sshrl.u32 s11, $0x1  }
0xc: {  	s8 =	sadd.s32 $0xAA00, s9;
	s13 =	sadd.s32 s10, s9;
	s14 =	ssub.s32 s11, s12  }
0xd: {  	s9 =	sadd.s32 $0xB000, s13;
	s10 =	sadd.s32 $0xA00, s13;
	s11 =	sadd.s32 $0xD000, s13  }
0xe: {  	s12 =	sadd.s32 $0xF000, s13;
	s13 =	sadd.s32 $0x11000, s13;
	s14 =	smax.u32 s14, $0x1  }
.LBB2_1:
0xf: {  	[tilespmem:s2], [sflag:$0x1] =	stream.linear.gather [hbm4b:s9+s2], $0x800, $0x38;
	[tilespmem:$0x4000] =	vst v63  }
0x10: {  	_ =	swait.ge [sflag:s15], $0x800  }
0x11: {  	[sflag:s15] =	ssyncset.done $0x0  }
0x12: {  	[sflag:s15] =	ssyncadd.s32 $0xFFFFF800  }
0x13: {  	[tilespmem:s16], [sflag:$0x1] =	stream.linear.gather [hbm4b:s10+s2], $0x800, $0x38;
	[tilespmem:$0x4000] =	vst v63  }
0x14: {  	_ =	swait.ge [sflag:s15], $0x800  }
0x15: {  	[sflag:s15] =	ssyncset.done $0x0  }
0x16: {  	[sflag:s15] =	ssyncadd.s32 $0xFFFFF800  }
0x17: {  	[tilespmem:s17], [sflag:$0x1] =	stream.indirect.gather [hbm4b:s1+s16], $0x1, s2, s16, $0xb8;
	[tilespmem:$0x4000] =	vst v63  }
0x18: {  	_ =	swait.ge [sflag:s15], $0x800  }
0x19: {  	[sflag:s15] =	ssyncset.done $0x0  }
0x1a: {  	[sflag:s15] =	ssyncadd.s32 $0xFFFFF800  }
0x1b: {  	[tilespmem:s18], [sflag:$0x1] =	stream.indirect.gather [hbm4b:s4+s16], $0x1, s2, s16, $0xb8;
	[tilespmem:$0x4000] =	vst v63  }
0x1c: {  	_ =	swait.ge [sflag:s15], $0x800  }
0x1d: {  	[sflag:s15] =	ssyncset.done $0x0  }
0x1e: {  	[sflag:s15] =	ssyncadd.s32 $0xFFFFF800  }
0x1f: {  	[tilespmem:s19], [sflag:$0x1] =	stream.indirect.gather [hbm4b:s5+s16], $0x1, s2, s16, $0xb8;
	[tilespmem:$0x4000] =	vst v63  }
0x20: {  	_ =	swait.ge [sflag:s15], $0x800  }
0x21: {  	[sflag:s15] =	ssyncset.done $0x0  }
0x22: {  	[sflag:s15] =	ssyncadd.s32 $0xFFFFF800  }
0x23: {  	[tilespmem:s20], [sflag:$0x1] =	stream.indirect.gather [hbm4b:s6+s16], $0x1, s16, s16, $0xb8;
	[tilespmem:$0x4000] =	vst v63  }
0x24: {  	_ =	swait.ge [sflag:s15], $0x800  }
0x25: {  	[sflag:s15] =	ssyncset.done $0x0  }
0x26: {  	[sflag:s15] =	ssyncadd.s32 $0xFFFFF800  }
0x27: {  	[tilespmem:s21], [sflag:$0x1] =	stream.indirect.gather [hbm4b:s7+s16], $0x1, s16, s16, $0xb8;
	[tilespmem:$0x4000] =	vst v63  }
0x28: {  	_ =	swait.ge [sflag:s15], $0x800  }
0x29: {  	[sflag:s15] =	ssyncset.done $0x0  }
0x2a: {  	[sflag:s15] =	ssyncadd.s32 $0xFFFFF800  }
0x2b: {  	[tilespmem:s22], [sflag:$0x1] =	stream.indirect.gather [hbm4b:s8+s16], $0x1, s16, s16, $0xb8;
	[tilespmem:$0x4000] =	vst v63  }
0x2c: {  	_ =	swait.ge [sflag:s15], $0x800  }
0x2d: {  	[sflag:s15] =	ssyncset.done $0x0  }
0x2e: {  	s24 =	simm.s32 $0x0;
	[sflag:s15] =	ssyncadd.s32 $0xFFFFF800  }
0x2f: {  	v1 =	vld [tilespmem:s24+$0x2800]  }
0x30: {  	v2 =	vld [tilespmem:s24+$0x3000]  }
0x31: {  	v0 =	vld [tilespmem:s24+$0x3800]  }
0x32: {  	v3 =	vld [tilespmem:s24+$0x1000]  }
0x33: {  	s25 =	simm.s32 $0x40;
	v4 =	vld [tilespmem:s24+$0x1800]  }
.LBB2_2:
0x34: {  	p0 =	sne.s32 s25, $0x1FC0;
	v5 =	vld [tilespmem:s24+$0x2000];
	_ =	sdelay $0x1  }
0x35: {  	s26 =	sshra.s32 s25, $0x2  }
.Ltmp0:
0x36: {  	v3 =	vsub.f32 v3, v1;
	v1 =	vld [tilespmem:s26+$0x2800];
	(pc) =	sbr.rel @p0 .LBB2_2-.Ltmp0, $4  }
0x37: {  	v4 =	vsub.f32 v4, v2;
	v2 =	vld [tilespmem:s26+$0x3000]  }
0x38: {  	[tilespmem:s24+$0x1000] =	vst v3;
	v5 =	vsub.f32 v5, v0;
	v0 =	vld [tilespmem:s26+$0x3800]  }
0x39: {  	v3 =	vld [tilespmem:s26+$0x1000];
	[tilespmem:s24+$0x1800] =	vst v4  }
0x3a: {  	s25 =	sadd.s32 $0x40, s25;
	v4 =	vld [tilespmem:s26+$0x1800];
	[tilespmem:s24+$0x2000] =	vst v5;
	s24 =	smov.u32 s26  }
0x3b: {  	v5 =	vld [tilespmem:s24+$0x2000];
	_ =	sdelay $0x2  }
0x3c: {  	v1 =	vsub.f32 v3, v1  }
0x3d: {  	v2 =	vsub.f32 v4, v2  }
0x3e: {  	[tilespmem:s24+$0x1000] =	vst v1;
	v0 =	vsub.f32 v5, v0  }
0x3f: {  	[tilespmem:s24+$0x1800] =	vst v2  }
0x40: {  	[tilespmem:s24+$0x2000] =	vst v0  }
0x41: {  	[hbm4b:s11+s2] =	stream.linear.scatter [tilespmem:s17], [sflag:$0x1], $0x800, $0x38;
	[tilespmem:$0x4000] =	vst v63  }
0x42: {  	_ =	swait.ge [sflag:s15], $0x800  }
0x43: {  	[sflag:s15] =	ssyncset.done $0x0  }
0x44: {  	[sflag:s15] =	ssyncadd.s32 $0xFFFFF800  }
0x45: {  	[hbm4b:s12+s2] =	stream.linear.scatter [tilespmem:s18], [sflag:$0x1], $0x800, $0x38;
	[tilespmem:$0x4000] =	vst v63  }
0x46: {  	s23 =	sadd.s32 $0x1, s23;
	_ =	swait.ge [sflag:s15], $0x800  }
0x47: {  	p0 =	sne.s32 s23, s14;
	[sflag:s15] =	ssyncset.done $0x0  }
.Ltmp1:
0x48: {  	[sflag:s15] =	ssyncadd.s32 $0xFFFFF800;
	(pc) =	sbr.rel @p0 .LBB2_1-.Ltmp1, $4  }
0x49: {  	[hbm4b:s13+s2] =	stream.linear.scatter [tilespmem:s19], [sflag:$0x1], $0x800, $0x38;
	[tilespmem:$0x4000] =	vst v63  }
0x4a: {  	_ =	swait.ge [sflag:s15], $0x800  }
0x4b: {  	[sflag:s15] =	ssyncset.done $0x0  }
0x4c: {  	[sflag:s15] =	ssyncadd.s32 $0xFFFFF800  }
0x4d: {  	_ =	sfence.sel $0x180000  }
0x4e: {  	[bflag:$0x0] =	sbarrier.arrive $0xFFFF  }
0x4f: {  	p0 =	sne.s32 s3, $0x0;
	_ =	strace $0x90000047  }
0x50: {  	s0 =	sadd.s32 @!p0 $0x100000, s0;
	[bflag:$0x2] =	sbarrier.arrive $0xFFFF  }
0x51: {  	[sflag:s0] =	ssyncadd.tile.s32 @!p0 $0x1;
	_ =	shalt  }
.Lfunc_end2:
_tile_overlayer_lowered:
.L_overlay_start_2:
0x52: {  	(tag) =	ssettag $0x2  }
0x53: {  	s0 =	rddreg [dreg:$0x0];
	s2 =	stileid.u32  }
0x54: {  	s1 =	rddreg [dreg:$0x1];
	p0 =	sne.s32 s2, $0x0  }
0x55: {  	s3 =	rddreg [dreg:$0x2];
	[bflag:$0x3] =	sbarrier.arrive $0xFFFF;
	s2 =	simm.s32 @!p0 $0x1C01  }
0x56: {  	[timem:s3], [sflag:s2] =	dma.local @!p0 [hbm:s0], s1  }
0x57: {  	s0 =	simm.s32 @!p0 $0x1  }
0x58: {  	_ =	swait.ge @!p0 [sflag:s0], s1  }
0x59: {  	s1 =	ssub.s32 @!p0 $0x0, s1;
	[sflag:s0] =	ssyncset.done @!p0 $0x0  }
0x5a: {  	[sflag:s0] =	ssyncadd.s32 @!p0 s1  }
0x5b: {  	[bflag:$0x3] =	sbarrier.arrive $0xFFFF  }
0x5c: {  	_ =	shalt  }

</sc_bundles>
